<compile_context>
chip_gen: v7x
topology: tpu7x:2x2x1
jax: 0.10.2.dev20260603
libtpu: 0.0.44.dev20260713+nightly
codegen_flags: <defaults>
</compile_context>

<pallas_src>
import functools
import numpy as np
import jax
import jax.numpy as jnp
from jax import lax
from jax.experimental import pallas as pl
from jax.experimental.pallas import tpu as pltpu
from jax.experimental.pallas import tpu_sc as plsc

_NPOINT = 512
_NSAMPLE = 32
_R2 = np.float32(0.2 ** 2)
_PADW = 80



def _fps_body(x3_ref, ox_ref, oy_ref, oz_ref):
    x3 = x3_ref[...]
    B3, N = x3.shape
    B = B3 // 3
    iota_n3 = lax.broadcasted_iota(jnp.int32, (B3, N), 1)
    iota_s = lax.broadcasted_iota(jnp.int32, (B, _NPOINT), 1)

    def newdist(c3):
        d3 = x3 - c3
        d3 = d3 * d3
        return (d3[0:B] + d3[B:2 * B]) + d3[2 * B:3 * B]

    c3 = x3[:, 0:1]
    dist = newdist(c3)
    nx = jnp.where(iota_s == 0, c3[0:B], 0.0)
    ny = jnp.where(iota_s == 0, c3[B:2 * B], 0.0)
    nz = jnp.where(iota_s == 0, c3[2 * B:3 * B], 0.0)

    def body(i, carry):
        dist, nx, ny, nz = carry
        far = jnp.argmax(dist, axis=-1).astype(jnp.int32)[:, None]
        far3 = jnp.concatenate([far, far, far], axis=0)
        c3 = jnp.sum(jnp.where(iota_n3 == far3, x3, 0.0), axis=-1,
                     keepdims=True)
        dist = jnp.minimum(dist, newdist(c3))
        smask = iota_s == i
        nx = jnp.where(smask, c3[0:B], nx)
        ny = jnp.where(smask, c3[B:2 * B], ny)
        nz = jnp.where(smask, c3[2 * B:3 * B], nz)
        return dist, nx, ny, nz

    _, nx, ny, nz = lax.fori_loop(1, _NPOINT, body, (dist, nx, ny, nz))
    ox_ref[...] = nx
    oy_ref[...] = ny
    oz_ref[...] = nz


def _fps(x, y, z):
    B, N = x.shape
    out = jax.ShapeDtypeStruct((B, _NPOINT), jnp.float32)
    return pl.pallas_call(
        _fps_body,
        out_shape=(out, out, out),
    )(jnp.concatenate([x, y, z], axis=0))



_SQ = 256


def _bq_body(x_ref, y_ref, z_ref, qx_ref, qy_ref, qz_ref, o_ref):
    b = pl.program_id(0)
    N = x_ref.shape[-1]
    x = x_ref[...].reshape(1, N)
    y = y_ref[...].reshape(1, N)
    z = z_ref[...].reshape(1, N)
    qx = qx_ref[...].reshape(_SQ, 1)
    qy = qy_ref[...].reshape(_SQ, 1)
    qz = qz_ref[...].reshape(_SQ, 1)
    dx = qx - x
    dy = qy - y
    dz = qz - z
    d = (dx * dx + dy * dy) + dz * dz
    iota_ni = lax.broadcasted_iota(jnp.int32, (_SQ, N), 1)
    key = jnp.where(d <= _R2, d, 1000.0 + iota_ni.astype(jnp.float32))
    iota_k = lax.broadcasted_iota(jnp.int32, (_SQ, _NSAMPLE), 1)
    big = jnp.float32(3e38)
    idxs0 = jnp.zeros((_SQ, _NSAMPLE), jnp.int32)

    def body(k, carry):
        key, idxs = carry
        am = jnp.argmin(key, axis=-1).astype(jnp.int32)[:, None]
        idxs = jnp.where(iota_k == k, am, idxs)
        key = jnp.where(iota_ni == am, big, key)
        return key, idxs

    _, idxs = lax.fori_loop(0, _NSAMPLE, body, (key, idxs0))
    o_ref[...] = (idxs + b * N).reshape(1, _SQ, _NSAMPLE)


def _ball_query(x, y, z, nx, ny, nz):
    B, N = x.shape
    S = _NPOINT
    grid = (B, S // _SQ)
    pt_spec = pl.BlockSpec((1, 1, N), lambda b, s: (b, 0, 0))
    q_spec = pl.BlockSpec((1, _SQ, 1), lambda b, s: (b, s, 0))
    out_spec = pl.BlockSpec((1, _SQ, _NSAMPLE), lambda b, s: (b, s, 0))
    return pl.pallas_call(
        _bq_body,
        grid=grid,
        in_specs=[pt_spec, pt_spec, pt_spec, q_spec, q_spec, q_spec],
        out_specs=out_spec,
        out_shape=jax.ShapeDtypeStruct((B, S, _NSAMPLE), jnp.int32),
    )(x[:, None], y[:, None], z[:, None],
      nx[..., None], ny[..., None], nz[..., None])



def _gather_sc(table, idx):
    rows, width = table.shape
    total = idx.shape[0]
    info = plsc.get_sparse_core_info()
    nw = info.num_cores * info.num_subcores
    per_w = total // nw
    chunk = 1024
    nchunks = per_w // chunk
    mesh = plsc.VectorSubcoreMesh(core_axis_name="c", subcore_axis_name="s")

    @functools.partial(
        pl.kernel,
        mesh=mesh,
        out_type=jax.ShapeDtypeStruct((total, width), jnp.float32),
        compiler_params=pltpu.CompilerParams(use_tc_tiling_on_sc=False),
        scratch_types=[
            pltpu.VMEM((chunk,), jnp.int32),
            pltpu.VMEM((chunk, width), jnp.float32),
            pltpu.SemaphoreType.DMA,
        ],
    )
    def k(table_hbm, idx_hbm, out_hbm, idx_v, rows_v, sem):
        wid = lax.axis_index("s") * info.num_cores + lax.axis_index("c")
        base = wid * per_w
        for c in range(nchunks):
            off = base + c * chunk
            pltpu.sync_copy(idx_hbm.at[pl.ds(off, chunk)], idx_v)
            pltpu.async_copy(table_hbm.at[idx_v], rows_v, sem).wait()
            pltpu.sync_copy(rows_v, out_hbm.at[pl.ds(off, chunk)])

    return k(table, idx)



_GB = 128


def _mlp_body(g_ref, q_ref, w1f_ref, w1fd_ref, b1f_ref, w2f_ref, b2f_ref,
              w1wd_ref, w1wdp_ref, w1wf_ref, b1w_ref, w2w_ref, b2w_ref,
              o_ref):
    K = _NSAMPLE
    g3 = g_ref[...]
    g = g3.reshape(_GB * K, _PADW)
    q = q_ref[...]
    f32 = jnp.float32
    dot = functools.partial(jnp.dot, preferred_element_type=f32)

    t1 = dot(g, w1f_ref[...]).reshape(_GB, K, -1)
    tq = dot(q, w1fd_ref[...])
    h = jnp.maximum(t1 - tq[:, None, :] + b1f_ref[...][None], 0.0)
    fp = jnp.maximum(dot(h.reshape(_GB * K, -1), w2f_ref[...])
                     + b2f_ref[...], 0.0)
    fp3 = fp.reshape(_GB, K, -1)
    fmean = jnp.mean(fp3, axis=1)

    ta = dot(g, w1wdp_ref[...]).reshape(_GB, K, -1)
    tb = dot(q, w1wd_ref[...])
    tf = dot(fp, w1wf_ref[...]).reshape(_GB, K, -1)
    tm = dot(fmean, w1wf_ref[...])
    hw = jnp.maximum(ta + tf - (tb + tm)[:, None, :] + b1w_ref[...][None],
                     0.0)
    zc = dot(hw.reshape(_GB * K, -1), w2w_ref[...]) + b2w_ref[...]
    alpha = 1.0 / (1.0 + jnp.exp(-zc))
    o_ref[...] = jnp.sum(alpha.reshape(_GB, K, -1) * fp3, axis=1)


def _mlp(g3, q, w1f_pad, w1f_d, b1f, w2f, b2f, w1w_d, w1w_dpad, w1w_f,
         b1w, w2w, b2w):
    ngroups = g3.shape[0]
    M = w2f.shape[-1]
    grid = (ngroups // _GB,)

    def fixed(shape):
        return pl.BlockSpec(shape, lambda i: tuple(0 for _ in shape))

    return pl.pallas_call(
        _mlp_body,
        grid=grid,
        in_specs=[
            pl.BlockSpec((_GB, _NSAMPLE, _PADW), lambda i: (i, 0, 0)),
            pl.BlockSpec((_GB, 3), lambda i: (i, 0)),
            fixed(w1f_pad.shape), fixed(w1f_d.shape), fixed(b1f.shape),
            fixed(w2f.shape), fixed(b2f.shape),
            fixed(w1w_d.shape), fixed(w1w_dpad.shape), fixed(w1w_f.shape),
            fixed(b1w.shape), fixed(w2w.shape), fixed(b2w.shape),
        ],
        out_specs=pl.BlockSpec((_GB, M), lambda i: (i, 0)),
        out_shape=jax.ShapeDtypeStruct((ngroups, M), jnp.float32),
    )(g3, q, w1f_pad, w1f_d, b1f, w2f, b2f, w1w_d, w1w_dpad, w1w_f,
      b1w, w2w, b2w)



def kernel(xyz, features, W1f, b1f, W2f, b2f, W1w, b1w, W2w, b2w):
    B, N, _ = xyz.shape
    C = features.shape[-1]
    M = W2f.shape[-1]
    S, K = _NPOINT, _NSAMPLE

    x = xyz[..., 0]
    y = xyz[..., 1]
    z = xyz[..., 2]
    nx, ny, nz = _fps(x, y, z)
    gidx = _ball_query(x, y, z, nx, ny, nz)

    pad = _PADW - 3 - C
    table = jnp.concatenate(
        [xyz, features, jnp.zeros((B, N, pad), jnp.float32)], axis=-1
    ).reshape(B * N, _PADW)
    gathered = _gather_sc(table, gidx.reshape(-1))

    g3 = gathered.reshape(B * S, K, _PADW)
    q = jnp.stack([nx, ny, nz], axis=-1).reshape(B * S, 3)

    zpad = jnp.zeros((pad + C, M), jnp.float32)
    w1f_pad = jnp.concatenate([W1f, jnp.zeros((pad, M), jnp.float32)])
    w1f_d = W1f[:3]
    w1w_d = W1w[:3]
    w1w_dpad = jnp.concatenate([w1w_d, zpad])
    w1w_f = W1w[3:]
    f_out = _mlp(g3, q, w1f_pad, w1f_d, b1f[None], W2f, b2f[None],
                 w1w_d, w1w_dpad, w1w_f, b1w[None], W2w, b2w[None])

    new_xyz = jnp.stack([nx, ny, nz], axis=-1)
    return new_xyz, f_out.reshape(B, S, M)

# --- scband reference (transcript-rebuilt; emitter-appended) ---
"""Pipeline reference for scband-set-abstraction-22531398435389 (READ-ONLY COPY).

The authoritative reference and input builder live on the scoring server;
editing this copy changes nothing except your own understanding.
"""

import jax, jax.numpy as jnp
import numpy as np

NPOINT = 512
RADIUS = 0.2
NSAMPLE = 32
MLP_OUT = 64


def farthest_point_sampling(xyz, npoint):
    # Deterministic FPS: start from index 0 (TF version uses a random start).
    B, N, _ = xyz.shape
    xyz = jax.lax.stop_gradient(xyz)  # indices are integer outputs; no grad flows through FPS
    farthest = jnp.zeros((B,), dtype=jnp.int32)
    centroid = jnp.take_along_axis(xyz, farthest[:, None, None], axis=1)  # (B,1,3)
    dist = jnp.sum((xyz - centroid) ** 2, axis=-1)  # (B,N)
    idxs = jnp.zeros((B, npoint), dtype=jnp.int32)  # position 0 already holds index 0

    def body(i, carry):
        dist, idxs = carry
        far = jnp.argmax(dist, axis=-1).astype(jnp.int32)
        c = jnp.take_along_axis(xyz, far[:, None, None], axis=1)
        d = jnp.sum((xyz - c) ** 2, axis=-1)
        dist = jnp.minimum(dist, d)
        idxs = idxs.at[:, i].set(far)
        return (dist, idxs)

    dist, idxs = jax.lax.fori_loop(1, npoint, body, (dist, idxs))
    return idxs


def index_points2(points, idx):
    # points (B,N,C), idx (B,S) -> (B,S,C)
    return points[jnp.arange(points.shape[0])[:, None], idx]


def index_points3(points, idx):
    # points (B,N,C), idx (B,S,K) -> (B,S,K,C)
    return points[jnp.arange(points.shape[0])[:, None, None], idx]


def query_ball_point(radius, nsample, xyz, new_xyz):
    dists = jnp.sum((new_xyz[:, :, None, :] - xyz[:, None, :, :]) ** 2, axis=-1)  # (B,S,N)
    d_mask = jnp.where(dists <= radius ** 2, dists, jnp.inf)
    idx = jnp.argsort(d_mask, axis=-1)[:, :, :nsample]
    return idx


def _glorot(key, shape):
    fan_in, fan_out = shape
    lim = np.sqrt(6.0 / (fan_in + fan_out))
    return jax.random.uniform(key, shape, jnp.float32, -lim, lim)


def setup_inputs(seed: int = 0) -> dict:
    key = jax.random.key(seed)
    ks = jax.random.split(key, 8)
    B, N, C = 8, 8192, 64
    M = MLP_OUT
    xyz = jax.random.uniform(ks[0], (B, N, 3), jnp.float32)
    features = jax.random.normal(ks[1], (B, N, C), jnp.float32)
    return {
        'xyz': xyz,
        'features': features,
        'W1f': _glorot(ks[2], (3 + C, M)), 'b1f': jnp.zeros((M,), jnp.float32),
        'W2f': _glorot(ks[3], (M, M)), 'b2f': jnp.zeros((M,), jnp.float32),
        'W1w': _glorot(ks[4], (3 + M, M)), 'b1w': jnp.zeros((M,), jnp.float32),
        'W2w': _glorot(ks[5], (M, M)), 'b2w': jnp.zeros((M,), jnp.float32),
    }


def reference(xyz, features, W1f, b1f, W2f, b2f, W1w, b1w, W2w, b2w):
    idx = farthest_point_sampling(xyz, NPOINT)            # (B,S)
    new_xyz = index_points2(xyz, idx)                     # (B,S,3)
    group_idx = query_ball_point(RADIUS, NSAMPLE, xyz, new_xyz)  # (B,S,K)
    grouped_xyz = index_points3(xyz, group_idx)           # (B,S,K,3)
    dxyz = grouped_xyz - new_xyz[:, :, None, :]
    grouped_feats = index_points3(features, group_idx)    # (B,S,K,C)
    f_in = jnp.concatenate([dxyz, grouped_feats], axis=-1)
    h = jax.nn.relu(f_in @ W1f + b1f)
    f_prime = jax.nn.relu(h @ W2f + b2f)                  # (B,S,K,M)
    f_mean = jnp.mean(f_prime, axis=2, keepdims=True)
    w_in = jnp.concatenate([dxyz, f_prime - f_mean], axis=-1)
    hw = jax.nn.relu(w_in @ W1w + b1w)
    alpha = jax.nn.sigmoid(hw @ W2w + b2w)
    f_out = jnp.sum(alpha * f_prime, axis=2)              # (B,S,M)
    return (new_xyz, f_out)

if __name__ == "__main__":
    import jax
    _d = setup_inputs()
    print(jax.jit(kernel)(*tuple(_d.values())))

</pallas_src>

<mosaic_0001>
#map = affine_map<(d0, d1) -> (0, 0)>
#map1 = affine_map<(d0, d1) -> (0)>
module attributes {stable_mosaic.version = 14 : i64} {
  func.func @k(%arg0: i32, %arg1: i32, %arg2: memref<65536x80xf32, #tpu.memory_space<hbm>>, %arg3: memref<131072xi32, #tpu.memory_space<hbm>>, %arg4: memref<131072x80xf32, #tpu.memory_space<hbm>>, %arg5: memref<1024xi32, #tpu.memory_space<vmem>>, %arg6: memref<1024x80xf32, #tpu.memory_space<vmem>>, %arg7: memref<!tpu.dma_semaphore, #tpu.memory_space<semaphore_mem>>) attributes {dimension_semantics = [#tpu.dimension_semantics<core_parallel>, #tpu.dimension_semantics<subcore_parallel>], iteration_bounds = array<i64: 2, 16>, scalar_prefetch = 0 : i64, scratch_operands = 3 : i64, tpu.core_type = #tpu.core_type<sc_vector_subcore>, window_params = [{transform_indices = #map}, {transform_indices = #map1}, {transform_indices = #map}]} {
    %mul3A = arith.constant 2 : i32
    %mul3A_0 = arith.muli %arg1, %mul3A : i32
    %add3A = arith.addi %mul3A_0, %arg0 : i32
    %mul3A_1 = arith.constant 4096 : i32
    %mul3A_2 = arith.muli %add3A, %mul3A_1 : i32
    %add3A_3 = arith.constant 0 : i32
    %add3A_4 = arith.addi %mul3A_2, %add3A_3 : i32
    "tpu.region"() ({
      %run_scoped3A = tpu.sem_alloc : memref<!tpu.dma_semaphore, #tpu.memory_space<semaphore_mem>>
      %dma_start3A_33 = tpu.memref_slice %arg3[%add3A_4] : memref<131072xi32, #tpu.memory_space<hbm>> -> memref<1024xi32, #tpu.memory_space<hbm>>
      %dma_start3A_34 = tpu.memref_slice %arg3[%add3A_4] : memref<131072xi32, #tpu.memory_space<hbm>> -> memref<1024xi32, #tpu.memory_space<hbm>>
      tpu.enqueue_dma source(%dma_start3A_34 : memref<1024xi32, #tpu.memory_space<hbm>>) target(%arg5 : memref<1024xi32, #tpu.memory_space<vmem>>) target_semaphore(%run_scoped3A : memref<!tpu.dma_semaphore, #tpu.memory_space<semaphore_mem>>)
      %dma_wait3A_35 = tpu.memref_slice %arg3[%add3A_4] : memref<131072xi32, #tpu.memory_space<hbm>> -> memref<1024xi32, #tpu.memory_space<hbm>>
      %dma_wait3A_36 = tpu.memref_slice %arg3[%add3A_4] : memref<131072xi32, #tpu.memory_space<hbm>> -> memref<1024xi32, #tpu.memory_space<hbm>>
      tpu.wait_dma2 semaphore(%run_scoped3A : memref<!tpu.dma_semaphore, #tpu.memory_space<semaphore_mem>>) src(%dma_wait3A_36 : memref<1024xi32, #tpu.memory_space<hbm>>) dst(%arg5 : memref<1024xi32, #tpu.memory_space<vmem>>)
      tpu.yield
    }) : () -> ()
    %dma_start3A = arith.constant 0 : i32
    %dma_start3A_5 = arith.constant 0 : i32
    %dma_start3A_6 = tpu.memref_slice %arg2[%dma_start3A, %dma_start3A_5] : memref<65536x80xf32, #tpu.memory_space<hbm>> -> memref<65536x80xf32, #tpu.memory_space<hbm>>
    tpu.enqueue_indirect_dma source(%dma_start3A_6 : memref<65536x80xf32, #tpu.memory_space<hbm>>) target(%arg6 : memref<1024x80xf32, #tpu.memory_space<vmem>>) offsets(%arg5 : memref<1024xi32, #tpu.memory_space<vmem>>) semaphore(%arg7 : memref<!tpu.dma_semaphore, #tpu.memory_space<semaphore_mem>>)
    %dma_wait3A = arith.constant 0 : i32
    %dma_wait3A_7 = arith.constant 0 : i32
    %dma_wait3A_8 = tpu.memref_slice %arg2[%dma_wait3A, %dma_wait3A_7] : memref<65536x80xf32, #tpu.memory_space<hbm>> -> memref<65536x80xf32, #tpu.memory_space<hbm>>
    tpu.wait_indirect_dma semaphore(%arg7 : memref<!tpu.dma_semaphore, #tpu.memory_space<semaphore_mem>>) src(%dma_wait3A_8 : memref<65536x80xf32, #tpu.memory_space<hbm>>) dst(%arg6 : memref<1024x80xf32, #tpu.memory_space<vmem>>)
    "tpu.region"() ({
      %run_scoped3A = tpu.sem_alloc : memref<!tpu.dma_semaphore, #tpu.memory_space<semaphore_mem>>
      %dma_start3A_33 = arith.constant 0 : i32
      %dma_start3A_34 = tpu.memref_slice %arg4[%add3A_4, %dma_start3A_33] : memref<131072x80xf32, #tpu.memory_space<hbm>> -> memref<1024x80xf32, #tpu.memory_space<hbm>>
      %dma_start3A_35 = arith.constant 0 : i32
      %dma_start3A_36 = tpu.memref_slice %arg4[%add3A_4, %dma_start3A_35] : memref<131072x80xf32, #tpu.memory_space<hbm>> -> memref<1024x80xf32, #tpu.memory_space<hbm>>
      tpu.enqueue_dma source(%arg6 : memref<1024x80xf32, #tpu.memory_space<vmem>>) target(%dma_start3A_36 : memref<1024x80xf32, #tpu.memory_space<hbm>>) target_semaphore(%run_scoped3A : memref<!tpu.dma_semaphore, #tpu.memory_space<semaphore_mem>>)
      %dma_wait3A_37 = arith.constant 0 : i32
      %dma_wait3A_38 = tpu.memref_slice %arg4[%add3A_4, %dma_wait3A_37] : memref<131072x80xf32, #tpu.memory_space<hbm>> -> memref<1024x80xf32, #tpu.memory_space<hbm>>
      %dma_wait3A_39 = arith.constant 0 : i32
      %dma_wait3A_40 = tpu.memref_slice %arg4[%add3A_4, %dma_wait3A_39] : memref<131072x80xf32, #tpu.memory_space<hbm>> -> memref<1024x80xf32, #tpu.memory_space<hbm>>
      tpu.wait_dma2 semaphore(%run_scoped3A : memref<!tpu.dma_semaphore, #tpu.memory_space<semaphore_mem>>) src(%arg6 : memref<1024x80xf32, #tpu.memory_space<vmem>>) dst(%dma_wait3A_40 : memref<1024x80xf32, #tpu.memory_space<hbm>>)
      tpu.yield
    }) : () -> ()
    %add3A_9 = arith.constant 1024 : i32
    %add3A_10 = arith.addi %mul3A_2, %add3A_9 : i32
    "tpu.region"() ({
      %run_scoped3A = tpu.sem_alloc : memref<!tpu.dma_semaphore, #tpu.memory_space<semaphore_mem>>
      %dma_start3A_33 = tpu.memref_slice %arg3[%add3A_10] : memref<131072xi32, #tpu.memory_space<hbm>> -> memref<1024xi32, #tpu.memory_space<hbm>>
      %dma_start3A_34 = tpu.memref_slice %arg3[%add3A_10] : memref<131072xi32, #tpu.memory_space<hbm>> -> memref<1024xi32, #tpu.memory_space<hbm>>
      tpu.enqueue_dma source(%dma_start3A_34 : memref<1024xi32, #tpu.memory_space<hbm>>) target(%arg5 : memref<1024xi32, #tpu.memory_space<vmem>>) target_semaphore(%run_scoped3A : memref<!tpu.dma_semaphore, #tpu.memory_space<semaphore_mem>>)
      %dma_wait3A_35 = tpu.memref_slice %arg3[%add3A_10] : memref<131072xi32, #tpu.memory_space<hbm>> -> memref<1024xi32, #tpu.memory_space<hbm>>
      %dma_wait3A_36 = tpu.memref_slice %arg3[%add3A_10] : memref<131072xi32, #tpu.memory_space<hbm>> -> memref<1024xi32, #tpu.memory_space<hbm>>
      tpu.wait_dma2 semaphore(%run_scoped3A : memref<!tpu.dma_semaphore, #tpu.memory_space<semaphore_mem>>) src(%dma_wait3A_36 : memref<1024xi32, #tpu.memory_space<hbm>>) dst(%arg5 : memref<1024xi32, #tpu.memory_space<vmem>>)
      tpu.yield
    }) : () -> ()
    %dma_start3A_11 = arith.constant 0 : i32
    %dma_start3A_12 = arith.constant 0 : i32
    %dma_start3A_13 = tpu.memref_slice %arg2[%dma_start3A_11, %dma_start3A_12] : memref<65536x80xf32, #tpu.memory_space<hbm>> -> memref<65536x80xf32, #tpu.memory_space<hbm>>
    tpu.enqueue_indirect_dma source(%dma_start3A_13 : memref<65536x80xf32, #tpu.memory_space<hbm>>) target(%arg6 : memref<1024x80xf32, #tpu.memory_space<vmem>>) offsets(%arg5 : memref<1024xi32, #tpu.memory_space<vmem>>) semaphore(%arg7 : memref<!tpu.dma_semaphore, #tpu.memory_space<semaphore_mem>>)
    %dma_wait3A_14 = arith.constant 0 : i32
    %dma_wait3A_15 = arith.constant 0 : i32
    %dma_wait3A_16 = tpu.memref_slice %arg2[%dma_wait3A_14, %dma_wait3A_15] : memref<65536x80xf32, #tpu.memory_space<hbm>> -> memref<65536x80xf32, #tpu.memory_space<hbm>>
    tpu.wait_indirect_dma semaphore(%arg7 : memref<!tpu.dma_semaphore, #tpu.memory_space<semaphore_mem>>) src(%dma_wait3A_16 : memref<65536x80xf32, #tpu.memory_space<hbm>>) dst(%arg6 : memref<1024x80xf32, #tpu.memory_space<vmem>>)
    "tpu.region"() ({
      %run_scoped3A = tpu.sem_alloc : memref<!tpu.dma_semaphore, #tpu.memory_space<semaphore_mem>>
      %dma_start3A_33 = arith.constant 0 : i32
      %dma_start3A_34 = tpu.memref_slice %arg4[%add3A_10, %dma_start3A_33] : memref<131072x80xf32, #tpu.memory_space<hbm>> -> memref<1024x80xf32, #tpu.memory_space<hbm>>
      %dma_start3A_35 = arith.constant 0 : i32
      %dma_start3A_36 = tpu.memref_slice %arg4[%add3A_10, %dma_start3A_35] : memref<131072x80xf32, #tpu.memory_space<hbm>> -> memref<1024x80xf32, #tpu.memory_space<hbm>>
      tpu.enqueue_dma source(%arg6 : memref<1024x80xf32, #tpu.memory_space<vmem>>) target(%dma_start3A_36 : memref<1024x80xf32, #tpu.memory_space<hbm>>) target_semaphore(%run_scoped3A : memref<!tpu.dma_semaphore, #tpu.memory_space<semaphore_mem>>)
      %dma_wait3A_37 = arith.constant 0 : i32
      %dma_wait3A_38 = tpu.memref_slice %arg4[%add3A_10, %dma_wait3A_37] : memref<131072x80xf32, #tpu.memory_space<hbm>> -> memref<1024x80xf32, #tpu.memory_space<hbm>>
      %dma_wait3A_39 = arith.constant 0 : i32
      %dma_wait3A_40 = tpu.memref_slice %arg4[%add3A_10, %dma_wait3A_39] : memref<131072x80xf32, #tpu.memory_space<hbm>> -> memref<1024x80xf32, #tpu.memory_space<hbm>>
      tpu.wait_dma2 semaphore(%run_scoped3A : memref<!tpu.dma_semaphore, #tpu.memory_space<semaphore_mem>>) src(%arg6 : memref<1024x80xf32, #tpu.memory_space<vmem>>) dst(%dma_wait3A_40 : memref<1024x80xf32, #tpu.memory_space<hbm>>)
      tpu.yield
    }) : () -> ()
    %add3A_17 = arith.constant 2048 : i32
    %add3A_18 = arith.addi %mul3A_2, %add3A_17 : i32
    "tpu.region"() ({
      %run_scoped3A = tpu.sem_alloc : memref<!tpu.dma_semaphore, #tpu.memory_space<semaphore_mem>>
      %dma_start3A_33 = tpu.memref_slice %arg3[%add3A_18] : memref<131072xi32, #tpu.memory_space<hbm>> -> memref<1024xi32, #tpu.memory_space<hbm>>
      %dma_start3A_34 = tpu.memref_slice %arg3[%add3A_18] : memref<131072xi32, #tpu.memory_space<hbm>> -> memref<1024xi32, #tpu.memory_space<hbm>>
      tpu.enqueue_dma source(%dma_start3A_34 : memref<1024xi32, #tpu.memory_space<hbm>>) target(%arg5 : memref<1024xi32, #tpu.memory_space<vmem>>) target_semaphore(%run_scoped3A : memref<!tpu.dma_semaphore, #tpu.memory_space<semaphore_mem>>)
      %dma_wait3A_35 = tpu.memref_slice %arg3[%add3A_18] : memref<131072xi32, #tpu.memory_space<hbm>> -> memref<1024xi32, #tpu.memory_space<hbm>>
      %dma_wait3A_36 = tpu.memref_slice %arg3[%add3A_18] : memref<131072xi32, #tpu.memory_space<hbm>> -> memref<1024xi32, #tpu.memory_space<hbm>>
      tpu.wait_dma2 semaphore(%run_scoped3A : memref<!tpu.dma_semaphore, #tpu.memory_space<semaphore_mem>>) src(%dma_wait3A_36 : memref<1024xi32, #tpu.memory_space<hbm>>) dst(%arg5 : memref<1024xi32, #tpu.memory_space<vmem>>)
      tpu.yield
    }) : () -> ()
    %dma_start3A_19 = arith.constant 0 : i32
    %dma_start3A_20 = arith.constant 0 : i32
    %dma_start3A_21 = tpu.memref_slice %arg2[%dma_start3A_19, %dma_start3A_20] : memref<65536x80xf32, #tpu.memory_space<hbm>> -> memref<65536x80xf32, #tpu.memory_space<hbm>>
    tpu.enqueue_indirect_dma source(%dma_start3A_21 : memref<65536x80xf32, #tpu.memory_space<hbm>>) target(%arg6 : memref<1024x80xf32, #tpu.memory_space<vmem>>) offsets(%arg5 : memref<1024xi32, #tpu.memory_space<vmem>>) semaphore(%arg7 : memref<!tpu.dma_semaphore, #tpu.memory_space<semaphore_mem>>)
    %dma_wait3A_22 = arith.constant 0 : i32
    %dma_wait3A_23 = arith.constant 0 : i32
    %dma_wait3A_24 = tpu.memref_slice %arg2[%dma_wait3A_22, %dma_wait3A_23] : memref<65536x80xf32, #tpu.memory_space<hbm>> -> memref<65536x80xf32, #tpu.memory_space<hbm>>
    tpu.wait_indirect_dma semaphore(%arg7 : memref<!tpu.dma_semaphore, #tpu.memory_space<semaphore_mem>>) src(%dma_wait3A_24 : memref<65536x80xf32, #tpu.memory_space<hbm>>) dst(%arg6 : memref<1024x80xf32, #tpu.memory_space<vmem>>)
    "tpu.region"() ({
      %run_scoped3A = tpu.sem_alloc : memref<!tpu.dma_semaphore, #tpu.memory_space<semaphore_mem>>
      %dma_start3A_33 = arith.constant 0 : i32
      %dma_start3A_34 = tpu.memref_slice %arg4[%add3A_18, %dma_start3A_33] : memref<131072x80xf32, #tpu.memory_space<hbm>> -> memref<1024x80xf32, #tpu.memory_space<hbm>>
      %dma_start3A_35 = arith.constant 0 : i32
      %dma_start3A_36 = tpu.memref_slice %arg4[%add3A_18, %dma_start3A_35] : memref<131072x80xf32, #tpu.memory_space<hbm>> -> memref<1024x80xf32, #tpu.memory_space<hbm>>
      tpu.enqueue_dma source(%arg6 : memref<1024x80xf32, #tpu.memory_space<vmem>>) target(%dma_start3A_36 : memref<1024x80xf32, #tpu.memory_space<hbm>>) target_semaphore(%run_scoped3A : memref<!tpu.dma_semaphore, #tpu.memory_space<semaphore_mem>>)
      %dma_wait3A_37 = arith.constant 0 : i32
      %dma_wait3A_38 = tpu.memref_slice %arg4[%add3A_18, %dma_wait3A_37] : memref<131072x80xf32, #tpu.memory_space<hbm>> -> memref<1024x80xf32, #tpu.memory_space<hbm>>
      %dma_wait3A_39 = arith.constant 0 : i32
      %dma_wait3A_40 = tpu.memref_slice %arg4[%add3A_18, %dma_wait3A_39] : memref<131072x80xf32, #tpu.memory_space<hbm>> -> memref<1024x80xf32, #tpu.memory_space<hbm>>
      tpu.wait_dma2 semaphore(%run_scoped3A : memref<!tpu.dma_semaphore, #tpu.memory_space<semaphore_mem>>) src(%arg6 : memref<1024x80xf32, #tpu.memory_space<vmem>>) dst(%dma_wait3A_40 : memref<1024x80xf32, #tpu.memory_space<hbm>>)
      tpu.yield
    }) : () -> ()
    %add3A_25 = arith.constant 3072 : i32
    %add3A_26 = arith.addi %mul3A_2, %add3A_25 : i32
    "tpu.region"() ({
      %run_scoped3A = tpu.sem_alloc : memref<!tpu.dma_semaphore, #tpu.memory_space<semaphore_mem>>
      %dma_start3A_33 = tpu.memref_slice %arg3[%add3A_26] : memref<131072xi32, #tpu.memory_space<hbm>> -> memref<1024xi32, #tpu.memory_space<hbm>>
      %dma_start3A_34 = tpu.memref_slice %arg3[%add3A_26] : memref<131072xi32, #tpu.memory_space<hbm>> -> memref<1024xi32, #tpu.memory_space<hbm>>
      tpu.enqueue_dma source(%dma_start3A_34 : memref<1024xi32, #tpu.memory_space<hbm>>) target(%arg5 : memref<1024xi32, #tpu.memory_space<vmem>>) target_semaphore(%run_scoped3A : memref<!tpu.dma_semaphore, #tpu.memory_space<semaphore_mem>>)
      %dma_wait3A_35 = tpu.memref_slice %arg3[%add3A_26] : memref<131072xi32, #tpu.memory_space<hbm>> -> memref<1024xi32, #tpu.memory_space<hbm>>
      %dma_wait3A_36 = tpu.memref_slice %arg3[%add3A_26] : memref<131072xi32, #tpu.memory_space<hbm>> -> memref<1024xi32, #tpu.memory_space<hbm>>
      tpu.wait_dma2 semaphore(%run_scoped3A : memref<!tpu.dma_semaphore, #tpu.memory_space<semaphore_mem>>) src(%dma_wait3A_36 : memref<1024xi32, #tpu.memory_space<hbm>>) dst(%arg5 : memref<1024xi32, #tpu.memory_space<vmem>>)
      tpu.yield
    }) : () -> ()
    %dma_start3A_27 = arith.constant 0 : i32
    %dma_start3A_28 = arith.constant 0 : i32
    %dma_start3A_29 = tpu.memref_slice %arg2[%dma_start3A_27, %dma_start3A_28] : memref<65536x80xf32, #tpu.memory_space<hbm>> -> memref<65536x80xf32, #tpu.memory_space<hbm>>
    tpu.enqueue_indirect_dma source(%dma_start3A_29 : memref<65536x80xf32, #tpu.memory_space<hbm>>) target(%arg6 : memref<1024x80xf32, #tpu.memory_space<vmem>>) offsets(%arg5 : memref<1024xi32, #tpu.memory_space<vmem>>) semaphore(%arg7 : memref<!tpu.dma_semaphore, #tpu.memory_space<semaphore_mem>>)
    %dma_wait3A_30 = arith.constant 0 : i32
    %dma_wait3A_31 = arith.constant 0 : i32
    %dma_wait3A_32 = tpu.memref_slice %arg2[%dma_wait3A_30, %dma_wait3A_31] : memref<65536x80xf32, #tpu.memory_space<hbm>> -> memref<65536x80xf32, #tpu.memory_space<hbm>>
    tpu.wait_indirect_dma semaphore(%arg7 : memref<!tpu.dma_semaphore, #tpu.memory_space<semaphore_mem>>) src(%dma_wait3A_32 : memref<65536x80xf32, #tpu.memory_space<hbm>>) dst(%arg6 : memref<1024x80xf32, #tpu.memory_space<vmem>>)
    "tpu.region"() ({
      %run_scoped3A = tpu.sem_alloc : memref<!tpu.dma_semaphore, #tpu.memory_space<semaphore_mem>>
      %dma_start3A_33 = arith.constant 0 : i32
      %dma_start3A_34 = tpu.memref_slice %arg4[%add3A_26, %dma_start3A_33] : memref<131072x80xf32, #tpu.memory_space<hbm>> -> memref<1024x80xf32, #tpu.memory_space<hbm>>
      %dma_start3A_35 = arith.constant 0 : i32
      %dma_start3A_36 = tpu.memref_slice %arg4[%add3A_26, %dma_start3A_35] : memref<131072x80xf32, #tpu.memory_space<hbm>> -> memref<1024x80xf32, #tpu.memory_space<hbm>>
      tpu.enqueue_dma source(%arg6 : memref<1024x80xf32, #tpu.memory_space<vmem>>) target(%dma_start3A_36 : memref<1024x80xf32, #tpu.memory_space<hbm>>) target_semaphore(%run_scoped3A : memref<!tpu.dma_semaphore, #tpu.memory_space<semaphore_mem>>)
      %dma_wait3A_37 = arith.constant 0 : i32
      %dma_wait3A_38 = tpu.memref_slice %arg4[%add3A_26, %dma_wait3A_37] : memref<131072x80xf32, #tpu.memory_space<hbm>> -> memref<1024x80xf32, #tpu.memory_space<hbm>>
      %dma_wait3A_39 = arith.constant 0 : i32
      %dma_wait3A_40 = tpu.memref_slice %arg4[%add3A_26, %dma_wait3A_39] : memref<131072x80xf32, #tpu.memory_space<hbm>> -> memref<1024x80xf32, #tpu.memory_space<hbm>>
      tpu.wait_dma2 semaphore(%run_scoped3A : memref<!tpu.dma_semaphore, #tpu.memory_space<semaphore_mem>>) src(%arg6 : memref<1024x80xf32, #tpu.memory_space<vmem>>) dst(%dma_wait3A_40 : memref<1024x80xf32, #tpu.memory_space<hbm>>)
      tpu.yield
    }) : () -> ()
    return
  }
}

module attributes {stable_mosaic.version = 14 : i64} {
  func.func @_fps_body(%arg0: memref<24x8192xf32, #tpu.memory_space<vmem>>, %arg1: memref<8x512xf32, #tpu.memory_space<vmem>>, %arg2: memref<8x512xf32, #tpu.memory_space<vmem>>, %arg3: memref<8x512xf32, #tpu.memory_space<vmem>>) attributes {dimension_semantics = [], scalar_prefetch = 0 : i64, scratch_operands = 0 : i64, tpu.core_type = #tpu.core_type<tc>} {
    %get3A = arith.constant 0 : index
    %get3A_0 = arith.constant 0 : index
    %get3A_1 = vector.load %arg0[%get3A, %get3A_0] : memref<24x8192xf32, #tpu.memory_space<vmem>>, vector<24x8192xf32>
    %iota3A = tpu.iota {dimensions = array<i32: 1>} : vector<24x8192xi32>
    %iota3A_2 = tpu.iota {dimensions = array<i32: 1>} : vector<8x512xi32>
    %slice3A = vector.extract_strided_slice %get3A_1 {offsets = [0, 0], sizes = [24, 1], strides = [1, 1]} : vector<24x8192xf32> to vector<24x1xf32>
    %sub3A = vector.broadcast %slice3A : vector<24x1xf32> to vector<24x8192xf32>
    %sub3A_3 = arith.subf %get3A_1, %sub3A : vector<24x8192xf32>
    %mul3A = arith.mulf %sub3A_3, %sub3A_3 : vector<24x8192xf32>
    %slice3A_4 = vector.extract_strided_slice %mul3A {offsets = [0, 0], sizes = [8, 8192], strides = [1, 1]} : vector<24x8192xf32> to vector<8x8192xf32>
    %slice3A_5 = vector.extract_strided_slice %mul3A {offsets = [8, 0], sizes = [8, 8192], strides = [1, 1]} : vector<24x8192xf32> to vector<8x8192xf32>
    %add3A = arith.addf %slice3A_4, %slice3A_5 : vector<8x8192xf32>
    %slice3A_6 = vector.extract_strided_slice %mul3A {offsets = [16, 0], sizes = [8, 8192], strides = [1, 1]} : vector<24x8192xf32> to vector<8x8192xf32>
    %add3A_7 = arith.addf %add3A, %slice3A_6 : vector<8x8192xf32>
    %eq3A = arith.constant 0 : i32
    %eq3A_8 = vector.broadcast %eq3A : i32 to vector<8x512xi32>
    %eq3A_9 = arith.cmpi eq, %iota3A_2, %eq3A_8 : vector<8x512xi32>
    %slice3A_10 = vector.extract_strided_slice %slice3A {offsets = [0, 0], sizes = [8, 1], strides = [1, 1]} : vector<24x1xf32> to vector<8x1xf32>
    %jit3A = arith.constant 0.000000e+00 : f32
    %broadcast_in_dim3A = vector.shape_cast %slice3A_10 : vector<8x1xf32> to vector<8x1xf32>
    %broadcast_in_dim3A_11 = vector.broadcast %broadcast_in_dim3A : vector<8x1xf32> to vector<8x512xf32>
    %broadcast_in_dim3A_12 = vector.broadcast %jit3A : f32 to vector<8x512xf32>
    %select_n3A = arith.select %eq3A_9, %broadcast_in_dim3A_11, %broadcast_in_dim3A_12 : vector<8x512xi1>, vector<8x512xf32>
    %eq3A_13 = arith.constant 0 : i32
    %eq3A_14 = vector.broadcast %eq3A_13 : i32 to vector<8x512xi32>
    %eq3A_15 = arith.cmpi eq, %iota3A_2, %eq3A_14 : vector<8x512xi32>
    %slice3A_16 = vector.extract_strided_slice %slice3A {offsets = [8, 0], sizes = [8, 1], strides = [1, 1]} : vector<24x1xf32> to vector<8x1xf32>
    %jit3A_17 = arith.constant 0.000000e+00 : f32
    %broadcast_in_dim3A_18 = vector.shape_cast %slice3A_16 : vector<8x1xf32> to vector<8x1xf32>
    %broadcast_in_dim3A_19 = vector.broadcast %broadcast_in_dim3A_18 : vector<8x1xf32> to vector<8x512xf32>
    %broadcast_in_dim3A_20 = vector.broadcast %jit3A_17 : f32 to vector<8x512xf32>
    %select_n3A_21 = arith.select %eq3A_15, %broadcast_in_dim3A_19, %broadcast_in_dim3A_20 : vector<8x512xi1>, vector<8x512xf32>
    %eq3A_22 = arith.constant 0 : i32
    %eq3A_23 = vector.broadcast %eq3A_22 : i32 to vector<8x512xi32>
    %eq3A_24 = arith.cmpi eq, %iota3A_2, %eq3A_23 : vector<8x512xi32>
    %slice3A_25 = vector.extract_strided_slice %slice3A {offsets = [16, 0], sizes = [8, 1], strides = [1, 1]} : vector<24x1xf32> to vector<8x1xf32>
    %jit3A_26 = arith.constant 0.000000e+00 : f32
    %broadcast_in_dim3A_27 = vector.shape_cast %slice3A_25 : vector<8x1xf32> to vector<8x1xf32>
    %broadcast_in_dim3A_28 = vector.broadcast %broadcast_in_dim3A_27 : vector<8x1xf32> to vector<8x512xf32>
    %broadcast_in_dim3A_29 = vector.broadcast %jit3A_26 : f32 to vector<8x512xf32>
    %select_n3A_30 = arith.select %eq3A_24, %broadcast_in_dim3A_28, %broadcast_in_dim3A_29 : vector<8x512xi1>, vector<8x512xf32>
    %scan3A = arith.constant 1 : i32
    %scan3A_31 = arith.constant 511 : i32
    %scan3A_32 = arith.addi %scan3A, %scan3A_31 : i32
    %scan3A_33 = arith.constant 1 : i32
    %scan3A_34:4 = scf.for %scan3A_44 = %scan3A to %scan3A_32 step %scan3A_33 iter_args(%scan3A_45 = %add3A_7, %scan3A_46 = %select_n3A, %scan3A_47 = %select_n3A_21, %scan3A_48 = %select_n3A_30) -> (vector<8x8192xf32>, vector<8x512xf32>, vector<8x512xf32>, vector<8x512xf32>)  : i32 {
      %argmax3A = tpu.reduce_index %scan3A_45 {axis = 1 : i32, kind = #tpu.reduction_kind<arg_max>} : vector<8x8192xf32> -> vector<8xi32>
      %broadcast_in_dim3A_49 = vector.shape_cast %argmax3A : vector<8xi32> to vector<8x1xi32>
      %concatenate3A = tpu.concatenate %broadcast_in_dim3A_49, %broadcast_in_dim3A_49, %broadcast_in_dim3A_49 in 0 : vector<8x1xi32>, vector<8x1xi32>, vector<8x1xi32> -> vector<24x1xi32>
      %eq3A_50 = vector.broadcast %concatenate3A : vector<24x1xi32> to vector<24x8192xi32>
      %eq3A_51 = arith.cmpi eq, %iota3A, %eq3A_50 : vector<24x8192xi32>
      %jit3A_52 = arith.constant 0.000000e+00 : f32
      %broadcast_in_dim3A_53 = vector.broadcast %jit3A_52 : f32 to vector<24x8192xf32>
      %select_n3A_54 = arith.select %eq3A_51, %get3A_1, %broadcast_in_dim3A_53 : vector<24x8192xi1>, vector<24x8192xf32>
      %reduce_sum3A = arith.constant dense<0.000000e+00> : vector<24xf32>
      %reduce_sum3A_55 = vector.multi_reduction <add>, %select_n3A_54, %reduce_sum3A [1] : vector<24x8192xf32> to vector<24xf32>
      %broadcast_in_dim3A_56 = vector.shape_cast %reduce_sum3A_55 : vector<24xf32> to vector<24x1xf32>
      %sub3A_57 = vector.broadcast %broadcast_in_dim3A_56 : vector<24x1xf32> to vector<24x8192xf32>
      %sub3A_58 = arith.subf %get3A_1, %sub3A_57 : vector<24x8192xf32>
      %mul3A_59 = arith.mulf %sub3A_58, %sub3A_58 : vector<24x8192xf32>
      %slice3A_60 = vector.extract_strided_slice %mul3A_59 {offsets = [0, 0], sizes = [8, 8192], strides = [1, 1]} : vector<24x8192xf32> to vector<8x8192xf32>
      %slice3A_61 = vector.extract_strided_slice %mul3A_59 {offsets = [8, 0], sizes = [8, 8192], strides = [1, 1]} : vector<24x8192xf32> to vector<8x8192xf32>
      %add3A_62 = arith.addf %slice3A_60, %slice3A_61 : vector<8x8192xf32>
      %slice3A_63 = vector.extract_strided_slice %mul3A_59 {offsets = [16, 0], sizes = [8, 8192], strides = [1, 1]} : vector<24x8192xf32> to vector<8x8192xf32>
      %add3A_64 = arith.addf %add3A_62, %slice3A_63 : vector<8x8192xf32>
      %min3A = arith.minimumf %scan3A_45, %add3A_64 : vector<8x8192xf32>
      %eq3A_65 = vector.broadcast %scan3A_44 : i32 to vector<8x512xi32>
      %eq3A_66 = arith.cmpi eq, %iota3A_2, %eq3A_65 : vector<8x512xi32>
      %slice3A_67 = vector.extract_strided_slice %broadcast_in_dim3A_56 {offsets = [0, 0], sizes = [8, 1], strides = [1, 1]} : vector<24x1xf32> to vector<8x1xf32>
      %broadcast_in_dim3A_68 = vector.shape_cast %slice3A_67 : vector<8x1xf32> to vector<8x1xf32>
      %broadcast_in_dim3A_69 = vector.broadcast %broadcast_in_dim3A_68 : vector<8x1xf32> to vector<8x512xf32>
      %select_n3A_70 = arith.select %eq3A_66, %broadcast_in_dim3A_69, %scan3A_46 : vector<8x512xi1>, vector<8x512xf32>
      %slice3A_71 = vector.extract_strided_slice %broadcast_in_dim3A_56 {offsets = [8, 0], sizes = [8, 1], strides = [1, 1]} : vector<24x1xf32> to vector<8x1xf32>
      %broadcast_in_dim3A_72 = vector.shape_cast %slice3A_71 : vector<8x1xf32> to vector<8x1xf32>
      %broadcast_in_dim3A_73 = vector.broadcast %broadcast_in_dim3A_72 : vector<8x1xf32> to vector<8x512xf32>
      %select_n3A_74 = arith.select %eq3A_66, %broadcast_in_dim3A_73, %scan3A_47 : vector<8x512xi1>, vector<8x512xf32>
      %slice3A_75 = vector.extract_strided_slice %broadcast_in_dim3A_56 {offsets = [16, 0], sizes = [8, 1], strides = [1, 1]} : vector<24x1xf32> to vector<8x1xf32>
      %broadcast_in_dim3A_76 = vector.shape_cast %slice3A_75 : vector<8x1xf32> to vector<8x1xf32>
      %broadcast_in_dim3A_77 = vector.broadcast %broadcast_in_dim3A_76 : vector<8x1xf32> to vector<8x512xf32>
      %select_n3A_78 = arith.select %eq3A_66, %broadcast_in_dim3A_77, %scan3A_48 : vector<8x512xi1>, vector<8x512xf32>
      scf.yield %min3A, %select_n3A_70, %select_n3A_74, %select_n3A_78 : vector<8x8192xf32>, vector<8x512xf32>, vector<8x512xf32>, vector<8x512xf32>
    }
    %scan3A_35 = arith.constant 511 : i32
    %swap3A = arith.constant 0 : index
    %swap3A_36 = arith.constant 0 : index
    %swap3A_37 = vector.load %arg1[%swap3A, %swap3A_36] : memref<8x512xf32, #tpu.memory_space<vmem>>, vector<8x512xf32>
    tpu.vector_store %arg1[%swap3A, %swap3A_36], %scan3A_34#1 {strides = array<i32>} : memref<8x512xf32, #tpu.memory_space<vmem>>, vector<8x512xf32>,
    %swap3A_38 = arith.constant 0 : index
    %swap3A_39 = arith.constant 0 : index
    %swap3A_40 = vector.load %arg2[%swap3A_38, %swap3A_39] : memref<8x512xf32, #tpu.memory_space<vmem>>, vector<8x512xf32>
    tpu.vector_store %arg2[%swap3A_38, %swap3A_39], %scan3A_34#2 {strides = array<i32>} : memref<8x512xf32, #tpu.memory_space<vmem>>, vector<8x512xf32>,
    %swap3A_41 = arith.constant 0 : index
    %swap3A_42 = arith.constant 0 : index
    %swap3A_43 = vector.load %arg3[%swap3A_41, %swap3A_42] : memref<8x512xf32, #tpu.memory_space<vmem>>, vector<8x512xf32>
    tpu.vector_store %arg3[%swap3A_41, %swap3A_42], %scan3A_34#3 {strides = array<i32>} : memref<8x512xf32, #tpu.memory_space<vmem>>, vector<8x512xf32>,
    return
  }
}

module attributes {stable_mosaic.version = 14 : i64} {
  func.func @_bq_body(%arg0: i32, %arg1: i32, %arg2: memref<1x1x8192xf32, #tpu.memory_space<vmem>>, %arg3: memref<1x1x8192xf32, #tpu.memory_space<vmem>>, %arg4: memref<1x1x8192xf32, #tpu.memory_space<vmem>>, %arg5: memref<1x256x1xf32, #tpu.memory_space<vmem>>, %arg6: memref<1x256x1xf32, #tpu.memory_space<vmem>>, %arg7: memref<1x256x1xf32, #tpu.memory_space<vmem>>, %arg8: memref<1x256x32xi32, #tpu.memory_space<vmem>>) attributes {dimension_semantics = [#tpu.dimension_semantics<arbitrary>, #tpu.dimension_semantics<arbitrary>], iteration_bounds = array<i64: 8, 2>, scalar_prefetch = 0 : i64, scratch_operands = 0 : i64, tpu.core_type = #tpu.core_type<tc>, window_params = [{transform_indices = @transform_0, window_bounds = array<i64: 1, 1, 8192>}, {transform_indices = @transform_1, window_bounds = array<i64: 1, 1, 8192>}, {transform_indices = @transform_2, window_bounds = array<i64: 1, 1, 8192>}, {transform_indices = @transform_3, window_bounds = array<i64: 1, 256, 1>}, {transform_indices = @transform_4, window_bounds = array<i64: 1, 256, 1>}, {transform_indices = @transform_5, window_bounds = array<i64: 1, 256, 1>}, {transform_indices = @transform_6, window_bounds = array<i64: 1, 256, 32>}]} {
    %get3A = arith.constant 0 : index
    %get3A_0 = arith.constant 0 : index
    %get3A_1 = arith.constant 0 : index
    %get3A_2 = vector.load %arg2[%get3A, %get3A_0, %get3A_1] : memref<1x1x8192xf32, #tpu.memory_space<vmem>>, vector<1x1x8192xf32>
    %reshape3A = vector.shape_cast %get3A_2 : vector<1x1x8192xf32> to vector<1x8192xf32>
    %get3A_3 = arith.constant 0 : index
    %get3A_4 = arith.constant 0 : index
    %get3A_5 = arith.constant 0 : index
    %get3A_6 = vector.load %arg3[%get3A_3, %get3A_4, %get3A_5] : memref<1x1x8192xf32, #tpu.memory_space<vmem>>, vector<1x1x8192xf32>
    %reshape3A_7 = vector.shape_cast %get3A_6 : vector<1x1x8192xf32> to vector<1x8192xf32>
    %get3A_8 = arith.constant 0 : index
    %get3A_9 = arith.constant 0 : index
    %get3A_10 = arith.constant 0 : index
    %get3A_11 = vector.load %arg4[%get3A_8, %get3A_9, %get3A_10] : memref<1x1x8192xf32, #tpu.memory_space<vmem>>, vector<1x1x8192xf32>
    %reshape3A_12 = vector.shape_cast %get3A_11 : vector<1x1x8192xf32> to vector<1x8192xf32>
    %get3A_13 = arith.constant 0 : index
    %get3A_14 = arith.constant 0 : index
    %get3A_15 = arith.constant 0 : index
    %get3A_16 = vector.load %arg5[%get3A_13, %get3A_14, %get3A_15] : memref<1x256x1xf32, #tpu.memory_space<vmem>>, vector<1x256x1xf32>
    %reshape3A_17 = vector.shape_cast %get3A_16 : vector<1x256x1xf32> to vector<256x1xf32>
    %get3A_18 = arith.constant 0 : index
    %get3A_19 = arith.constant 0 : index
    %get3A_20 = arith.constant 0 : index
    %get3A_21 = vector.load %arg6[%get3A_18, %get3A_19, %get3A_20] : memref<1x256x1xf32, #tpu.memory_space<vmem>>, vector<1x256x1xf32>
    %reshape3A_22 = vector.shape_cast %get3A_21 : vector<1x256x1xf32> to vector<256x1xf32>
    %get3A_23 = arith.constant 0 : index
    %get3A_24 = arith.constant 0 : index
    %get3A_25 = arith.constant 0 : index
    %get3A_26 = vector.load %arg7[%get3A_23, %get3A_24, %get3A_25] : memref<1x256x1xf32, #tpu.memory_space<vmem>>, vector<1x256x1xf32>
    %reshape3A_27 = vector.shape_cast %get3A_26 : vector<1x256x1xf32> to vector<256x1xf32>
    %sub3A = vector.broadcast %reshape3A_17 : vector<256x1xf32> to vector<256x8192xf32>
    %sub3A_28 = vector.broadcast %reshape3A : vector<1x8192xf32> to vector<256x8192xf32>
    %sub3A_29 = arith.subf %sub3A, %sub3A_28 : vector<256x8192xf32>
    %sub3A_30 = vector.broadcast %reshape3A_22 : vector<256x1xf32> to vector<256x8192xf32>
    %sub3A_31 = vector.broadcast %reshape3A_7 : vector<1x8192xf32> to vector<256x8192xf32>
    %sub3A_32 = arith.subf %sub3A_30, %sub3A_31 : vector<256x8192xf32>
    %sub3A_33 = vector.broadcast %reshape3A_27 : vector<256x1xf32> to vector<256x8192xf32>
    %sub3A_34 = vector.broadcast %reshape3A_12 : vector<1x8192xf32> to vector<256x8192xf32>
    %sub3A_35 = arith.subf %sub3A_33, %sub3A_34 : vector<256x8192xf32>
    %mul3A = arith.mulf %sub3A_29, %sub3A_29 : vector<256x8192xf32>
    %mul3A_36 = arith.mulf %sub3A_32, %sub3A_32 : vector<256x8192xf32>
    %add3A = arith.addf %mul3A, %mul3A_36 : vector<256x8192xf32>
    %mul3A_37 = arith.mulf %sub3A_35, %sub3A_35 : vector<256x8192xf32>
    %add3A_38 = arith.addf %add3A, %mul3A_37 : vector<256x8192xf32>
    %iota3A = tpu.iota {dimensions = array<i32: 1>} : vector<256x8192xi32>
    %le3A = arith.constant 4.000000e-02 : f32
    %le3A_39 = vector.broadcast %le3A : f32 to vector<256x8192xf32>
    %le3A_40 = arith.cmpf ole, %add3A_38, %le3A_39 : vector<256x8192xf32>
    %convert_element_type3A = arith.sitofp %iota3A : vector<256x8192xi32> to vector<256x8192xf32>
    %add3A_41 = arith.constant 1.000000e+03 : f32
    %add3A_42 = vector.broadcast %add3A_41 : f32 to vector<256x8192xf32>
    %add3A_43 = arith.addf %add3A_42, %convert_element_type3A : vector<256x8192xf32>
    %select_n3A = arith.select %le3A_40, %add3A_38, %add3A_43 : vector<256x8192xi1>, vector<256x8192xf32>
    %iota3A_44 = tpu.iota {dimensions = array<i32: 1>} : vector<256x32xi32>
    %broadcast_in_dim3A = arith.constant 0 : i32
    %broadcast_in_dim3A_45 = vector.broadcast %broadcast_in_dim3A : i32 to vector<256x32xi32>
    %scan3A = arith.constant 3.000000e+38 : f32
    %scan3A_46 = arith.constant 0 : i32
    %scan3A_47 = arith.constant 32 : i32
    %scan3A_48 = arith.addi %scan3A_46, %scan3A_47 : i32
    %scan3A_49 = arith.constant 1 : i32
    %scan3A_50:2 = scf.for %scan3A_60 = %scan3A_46 to %scan3A_48 step %scan3A_49 iter_args(%scan3A_61 = %select_n3A, %scan3A_62 = %broadcast_in_dim3A_45) -> (vector<256x8192xf32>, vector<256x32xi32>)  : i32 {
      %argmin3A = tpu.reduce_index %scan3A_61 {axis = 1 : i32, kind = #tpu.reduction_kind<arg_min>} : vector<256x8192xf32> -> vector<256xi32>
      %broadcast_in_dim3A_63 = vector.shape_cast %argmin3A : vector<256xi32> to vector<256x1xi32>
      %eq3A = vector.broadcast %scan3A_60 : i32 to vector<256x32xi32>
      %eq3A_64 = arith.cmpi eq, %iota3A_44, %eq3A : vector<256x32xi32>
      %broadcast_in_dim3A_65 = vector.shape_cast %broadcast_in_dim3A_63 : vector<256x1xi32> to vector<256x1xi32>
      %broadcast_in_dim3A_66 = vector.broadcast %broadcast_in_dim3A_65 : vector<256x1xi32> to vector<256x32xi32>
      %select_n3A_67 = arith.select %eq3A_64, %broadcast_in_dim3A_66, %scan3A_62 : vector<256x32xi1>, vector<256x32xi32>
      %eq3A_68 = vector.broadcast %broadcast_in_dim3A_63 : vector<256x1xi32> to vector<256x8192xi32>
      %eq3A_69 = arith.cmpi eq, %iota3A, %eq3A_68 : vector<256x8192xi32>
      %broadcast_in_dim3A_70 = vector.broadcast %scan3A : f32 to vector<256x8192xf32>
      %select_n3A_71 = arith.select %eq3A_69, %broadcast_in_dim3A_70, %scan3A_61 : vector<256x8192xi1>, vector<256x8192xf32>
      scf.yield %select_n3A_71, %select_n3A_67 : vector<256x8192xf32>, vector<256x32xi32>
    }
    %scan3A_51 = arith.constant 32 : i32
    %mul3A_52 = arith.constant 8192 : i32
    %mul3A_53 = arith.muli %arg0, %mul3A_52 : i32
    %add3A_54 = vector.broadcast %mul3A_53 : i32 to vector<256x32xi32>
    %add3A_55 = arith.addi %scan3A_50#1, %add3A_54 : vector<256x32xi32>
    %reshape3A_56 = vector.shape_cast %add3A_55 : vector<256x32xi32> to vector<1x256x32xi32>
    %swap3A = arith.constant 0 : index
    %swap3A_57 = arith.constant 0 : index
    %swap3A_58 = arith.constant 0 : index
    %swap3A_59 = vector.load %arg8[%swap3A, %swap3A_57, %swap3A_58] : memref<1x256x32xi32, #tpu.memory_space<vmem>>, vector<1x256x32xi32>
    tpu.vector_store %arg8[%swap3A, %swap3A_57, %swap3A_58], %reshape3A_56 {strides = array<i32>} : memref<1x256x32xi32, #tpu.memory_space<vmem>>, vector<1x256x32xi32>,
    return
  }
  func.func @transform_0(%arg0: i32, %arg1: i32) -> (i32, i32, i32) {
    %c0_i32 = arith.constant 0 : i32
    %c0_i32_0 = arith.constant 0 : i32
    %c0_i32_1 = arith.constant 0 : i32
    return %arg0, %c0_i32, %c0_i32_0 : i32, i32, i32
  }
  func.func @transform_1(%arg0: i32, %arg1: i32) -> (i32, i32, i32) {
    %c0_i32 = arith.constant 0 : i32
    %c0_i32_0 = arith.constant 0 : i32
    %c0_i32_1 = arith.constant 0 : i32
    return %arg0, %c0_i32, %c0_i32_0 : i32, i32, i32
  }
  func.func @transform_2(%arg0: i32, %arg1: i32) -> (i32, i32, i32) {
    %c0_i32 = arith.constant 0 : i32
    %c0_i32_0 = arith.constant 0 : i32
    %c0_i32_1 = arith.constant 0 : i32
    return %arg0, %c0_i32, %c0_i32_0 : i32, i32, i32
  }
  func.func @transform_3(%arg0: i32, %arg1: i32) -> (i32, i32, i32) {
    %c0_i32 = arith.constant 0 : i32
    %c0_i32_0 = arith.constant 0 : i32
    return %arg0, %arg1, %c0_i32 : i32, i32, i32
  }
  func.func @transform_4(%arg0: i32, %arg1: i32) -> (i32, i32, i32) {
    %c0_i32 = arith.constant 0 : i32
    %c0_i32_0 = arith.constant 0 : i32
    return %arg0, %arg1, %c0_i32 : i32, i32, i32
  }
  func.func @transform_5(%arg0: i32, %arg1: i32) -> (i32, i32, i32) {
    %c0_i32 = arith.constant 0 : i32
    %c0_i32_0 = arith.constant 0 : i32
    return %arg0, %arg1, %c0_i32 : i32, i32, i32
  }
  func.func @transform_6(%arg0: i32, %arg1: i32) -> (i32, i32, i32) {
    %c0_i32 = arith.constant 0 : i32
    %c0_i32_0 = arith.constant 0 : i32
    return %arg0, %arg1, %c0_i32 : i32, i32, i32
  }
}

module attributes {stable_mosaic.version = 14 : i64} {
  func.func @_mlp_body(%arg0: i32, %arg1: memref<128x32x80xf32, #tpu.memory_space<vmem>>, %arg2: memref<128x3xf32, #tpu.memory_space<vmem>>, %arg3: memref<80x64xf32, #tpu.memory_space<vmem>>, %arg4: memref<3x64xf32, #tpu.memory_space<vmem>>, %arg5: memref<1x64xf32, #tpu.memory_space<vmem>>, %arg6: memref<64x64xf32, #tpu.memory_space<vmem>>, %arg7: memref<1x64xf32, #tpu.memory_space<vmem>>, %arg8: memref<3x64xf32, #tpu.memory_space<vmem>>, %arg9: memref<80x64xf32, #tpu.memory_space<vmem>>, %arg10: memref<64x64xf32, #tpu.memory_space<vmem>>, %arg11: memref<1x64xf32, #tpu.memory_space<vmem>>, %arg12: memref<64x64xf32, #tpu.memory_space<vmem>>, %arg13: memref<1x64xf32, #tpu.memory_space<vmem>>, %arg14: memref<128x64xf32, #tpu.memory_space<vmem>>) attributes {dimension_semantics = [#tpu.dimension_semantics<arbitrary>], iteration_bounds = array<i64: 32>, scalar_prefetch = 0 : i64, scratch_operands = 0 : i64, tpu.core_type = #tpu.core_type<tc>, window_params = [{transform_indices = @transform_0, window_bounds = array<i64: 128, 32, 80>}, {transform_indices = @transform_1, window_bounds = array<i64: 128, 3>}, {pipeline_mode = #tpu.pipeline_mode<synchronous>, transform_indices = @transform_2, window_bounds = array<i64: 80, 64>}, {pipeline_mode = #tpu.pipeline_mode<synchronous>, transform_indices = @transform_3, window_bounds = array<i64: 3, 64>}, {pipeline_mode = #tpu.pipeline_mode<synchronous>, transform_indices = @transform_4, window_bounds = array<i64: 1, 64>}, {pipeline_mode = #tpu.pipeline_mode<synchronous>, transform_indices = @transform_5, window_bounds = array<i64: 64, 64>}, {pipeline_mode = #tpu.pipeline_mode<synchronous>, transform_indices = @transform_6, window_bounds = array<i64: 1, 64>}, {pipeline_mode = #tpu.pipeline_mode<synchronous>, transform_indices = @transform_7, window_bounds = array<i64: 3, 64>}, {pipeline_mode = #tpu.pipeline_mode<synchronous>, transform_indices = @transform_8, window_bounds = array<i64: 80, 64>}, {pipeline_mode = #tpu.pipeline_mode<synchronous>, transform_indices = @transform_9, window_bounds = array<i64: 64, 64>}, {pipeline_mode = #tpu.pipeline_mode<synchronous>, transform_indices = @transform_10, window_bounds = array<i64: 1, 64>}, {pipeline_mode = #tpu.pipeline_mode<synchronous>, transform_indices = @transform_11, window_bounds = array<i64: 64, 64>}, {pipeline_mode = #tpu.pipeline_mode<synchronous>, transform_indices = @transform_12, window_bounds = array<i64: 1, 64>}, {transform_indices = @transform_13, window_bounds = array<i64: 128, 64>}]} {
    %get3A = arith.constant 0 : index
    %get3A_0 = arith.constant 0 : index
    %get3A_1 = arith.constant 0 : index
    %get3A_2 = vector.load %arg1[%get3A, %get3A_0, %get3A_1] : memref<128x32x80xf32, #tpu.memory_space<vmem>>, vector<128x32x80xf32>
    %reshape3A = vector.shape_cast %get3A_2 : vector<128x32x80xf32> to vector<4096x80xf32>
    %get3A_3 = arith.constant 0 : index
    %get3A_4 = arith.constant 0 : index
    %get3A_5 = vector.load %arg2[%get3A_3, %get3A_4] : memref<128x3xf32, #tpu.memory_space<vmem>>, vector<128x3xf32>
    %get3A_6 = arith.constant 0 : index
    %get3A_7 = arith.constant 0 : index
    %get3A_8 = vector.load %arg3[%get3A_6, %get3A_7] : memref<80x64xf32, #tpu.memory_space<vmem>>, vector<80x64xf32>
    %dot_general3A = arith.constant dense<0.000000e+00> : vector<4096x64xf32>
    %dot_general3A_9 = tpu.matmul %reshape3A, %get3A_8, %dot_general3A {dimension_numbers = #tpu.dot_dimension_numbers<[1], [0], [0], [1], [0, 0, 1, 1], [], []>, transpose_lhs_hint = false} : vector<4096x80xf32>, vector<80x64xf32>, vector<4096x64xf32> -> vector<4096x64xf32>
    %reshape3A_10 = vector.shape_cast %dot_general3A_9 : vector<4096x64xf32> to vector<128x32x64xf32>
    %get3A_11 = arith.constant 0 : index
    %get3A_12 = arith.constant 0 : index
    %get3A_13 = vector.load %arg4[%get3A_11, %get3A_12] : memref<3x64xf32, #tpu.memory_space<vmem>>, vector<3x64xf32>
    %dot_general3A_14 = arith.constant dense<0.000000e+00> : vector<128x64xf32>
    %dot_general3A_15 = tpu.matmul %get3A_5, %get3A_13, %dot_general3A_14 {dimension_numbers = #tpu.dot_dimension_numbers<[1], [0], [0], [1], [0, 0, 1, 1], [], []>, transpose_lhs_hint = false} : vector<128x3xf32>, vector<3x64xf32>, vector<128x64xf32> -> vector<128x64xf32>
    %broadcast_in_dim3A = vector.shape_cast %dot_general3A_15 : vector<128x64xf32> to vector<128x1x64xf32>
    %sub3A = vector.broadcast %broadcast_in_dim3A : vector<128x1x64xf32> to vector<128x32x64xf32>
    %sub3A_16 = arith.subf %reshape3A_10, %sub3A : vector<128x32x64xf32>
    %get3A_17 = arith.constant 0 : index
    %get3A_18 = arith.constant 0 : index
    %get3A_19 = vector.load %arg5[%get3A_17, %get3A_18] : memref<1x64xf32, #tpu.memory_space<vmem>>, vector<1x64xf32>
    %broadcast_in_dim3A_20 = vector.shape_cast %get3A_19 : vector<1x64xf32> to vector<1x1x64xf32>
    %add3A = vector.broadcast %broadcast_in_dim3A_20 : vector<1x1x64xf32> to vector<128x32x64xf32>
    %add3A_21 = arith.addf %sub3A_16, %add3A : vector<128x32x64xf32>
    %max3A = arith.constant 0.000000e+00 : f32
    %max3A_22 = vector.broadcast %max3A : f32 to vector<128x32x64xf32>
    %max3A_23 = arith.maximumf %add3A_21, %max3A_22 : vector<128x32x64xf32>
    %reshape3A_24 = vector.shape_cast %max3A_23 : vector<128x32x64xf32> to vector<4096x64xf32>
    %get3A_25 = arith.constant 0 : index
    %get3A_26 = arith.constant 0 : index
    %get3A_27 = vector.load %arg6[%get3A_25, %get3A_26] : memref<64x64xf32, #tpu.memory_space<vmem>>, vector<64x64xf32>
    %dot_general3A_28 = arith.constant dense<0.000000e+00> : vector<4096x64xf32>
    %dot_general3A_29 = tpu.matmul %reshape3A_24, %get3A_27, %dot_general3A_28 {dimension_numbers = #tpu.dot_dimension_numbers<[1], [0], [0], [1], [0, 0, 1, 1], [], []>, transpose_lhs_hint = false} : vector<4096x64xf32>, vector<64x64xf32>, vector<4096x64xf32> -> vector<4096x64xf32>
    %get3A_30 = arith.constant 0 : index
    %get3A_31 = arith.constant 0 : index
    %get3A_32 = vector.load %arg7[%get3A_30, %get3A_31] : memref<1x64xf32, #tpu.memory_space<vmem>>, vector<1x64xf32>
    %add3A_33 = vector.broadcast %get3A_32 : vector<1x64xf32> to vector<4096x64xf32>
    %add3A_34 = arith.addf %dot_general3A_29, %add3A_33 : vector<4096x64xf32>
    %max3A_35 = arith.constant 0.000000e+00 : f32
    %max3A_36 = vector.broadcast %max3A_35 : f32 to vector<4096x64xf32>
    %max3A_37 = arith.maximumf %add3A_34, %max3A_36 : vector<4096x64xf32>
    %reshape3A_38 = vector.shape_cast %max3A_37 : vector<4096x64xf32> to vector<128x32x64xf32>
    %reduce_sum3A = arith.constant dense<0.000000e+00> : vector<128x64xf32>
    %reduce_sum3A_39 = vector.multi_reduction <add>, %reshape3A_38, %reduce_sum3A [1] : vector<128x32x64xf32> to vector<128x64xf32>
    %div3A = arith.constant 3.200000e+01 : f32
    %div3A_40 = vector.broadcast %div3A : f32 to vector<128x64xf32>
    %div3A_41 = arith.divf %reduce_sum3A_39, %div3A_40 : vector<128x64xf32>
    %get3A_42 = arith.constant 0 : index
    %get3A_43 = arith.constant 0 : index
    %get3A_44 = vector.load %arg9[%get3A_42, %get3A_43] : memref<80x64xf32, #tpu.memory_space<vmem>>, vector<80x64xf32>
    %dot_general3A_45 = arith.constant dense<0.000000e+00> : vector<4096x64xf32>
    %dot_general3A_46 = tpu.matmul %reshape3A, %get3A_44, %dot_general3A_45 {dimension_numbers = #tpu.dot_dimension_numbers<[1], [0], [0], [1], [0, 0, 1, 1], [], []>, transpose_lhs_hint = false} : vector<4096x80xf32>, vector<80x64xf32>, vector<4096x64xf32> -> vector<4096x64xf32>
    %reshape3A_47 = vector.shape_cast %dot_general3A_46 : vector<4096x64xf32> to vector<128x32x64xf32>
    %get3A_48 = arith.constant 0 : index
    %get3A_49 = arith.constant 0 : index
    %get3A_50 = vector.load %arg8[%get3A_48, %get3A_49] : memref<3x64xf32, #tpu.memory_space<vmem>>, vector<3x64xf32>
    %dot_general3A_51 = arith.constant dense<0.000000e+00> : vector<128x64xf32>
    %dot_general3A_52 = tpu.matmul %get3A_5, %get3A_50, %dot_general3A_51 {dimension_numbers = #tpu.dot_dimension_numbers<[1], [0], [0], [1], [0, 0, 1, 1], [], []>, transpose_lhs_hint = false} : vector<128x3xf32>, vector<3x64xf32>, vector<128x64xf32> -> vector<128x64xf32>
    %get3A_53 = arith.constant 0 : index
    %get3A_54 = arith.constant 0 : index
    %get3A_55 = vector.load %arg10[%get3A_53, %get3A_54] : memref<64x64xf32, #tpu.memory_space<vmem>>, vector<64x64xf32>
    %dot_general3A_56 = arith.constant dense<0.000000e+00> : vector<4096x64xf32>
    %dot_general3A_57 = tpu.matmul %max3A_37, %get3A_55, %dot_general3A_56 {dimension_numbers = #tpu.dot_dimension_numbers<[1], [0], [0], [1], [0, 0, 1, 1], [], []>, transpose_lhs_hint = false} : vector<4096x64xf32>, vector<64x64xf32>, vector<4096x64xf32> -> vector<4096x64xf32>
    %reshape3A_58 = vector.shape_cast %dot_general3A_57 : vector<4096x64xf32> to vector<128x32x64xf32>
    %get3A_59 = arith.constant 0 : index
    %get3A_60 = arith.constant 0 : index
    %get3A_61 = vector.load %arg10[%get3A_59, %get3A_60] : memref<64x64xf32, #tpu.memory_space<vmem>>, vector<64x64xf32>
    %dot_general3A_62 = arith.constant dense<0.000000e+00> : vector<128x64xf32>
    %dot_general3A_63 = tpu.matmul %div3A_41, %get3A_61, %dot_general3A_62 {dimension_numbers = #tpu.dot_dimension_numbers<[1], [0], [0], [1], [0, 0, 1, 1], [], []>, transpose_lhs_hint = false} : vector<128x64xf32>, vector<64x64xf32>, vector<128x64xf32> -> vector<128x64xf32>
    %add3A_64 = arith.addf %reshape3A_47, %reshape3A_58 : vector<128x32x64xf32>
    %add3A_65 = arith.addf %dot_general3A_52, %dot_general3A_63 : vector<128x64xf32>
    %broadcast_in_dim3A_66 = vector.shape_cast %add3A_65 : vector<128x64xf32> to vector<128x1x64xf32>
    %sub3A_67 = vector.broadcast %broadcast_in_dim3A_66 : vector<128x1x64xf32> to vector<128x32x64xf32>
    %sub3A_68 = arith.subf %add3A_64, %sub3A_67 : vector<128x32x64xf32>
    %get3A_69 = arith.constant 0 : index
    %get3A_70 = arith.constant 0 : index
    %get3A_71 = vector.load %arg11[%get3A_69, %get3A_70] : memref<1x64xf32, #tpu.memory_space<vmem>>, vector<1x64xf32>
    %broadcast_in_dim3A_72 = vector.shape_cast %get3A_71 : vector<1x64xf32> to vector<1x1x64xf32>
    %add3A_73 = vector.broadcast %broadcast_in_dim3A_72 : vector<1x1x64xf32> to vector<128x32x64xf32>
    %add3A_74 = arith.addf %sub3A_68, %add3A_73 : vector<128x32x64xf32>
    %max3A_75 = arith.constant 0.000000e+00 : f32
    %max3A_76 = vector.broadcast %max3A_75 : f32 to vector<128x32x64xf32>
    %max3A_77 = arith.maximumf %add3A_74, %max3A_76 : vector<128x32x64xf32>
    %reshape3A_78 = vector.shape_cast %max3A_77 : vector<128x32x64xf32> to vector<4096x64xf32>
    %get3A_79 = arith.constant 0 : index
    %get3A_80 = arith.constant 0 : index
    %get3A_81 = vector.load %arg12[%get3A_79, %get3A_80] : memref<64x64xf32, #tpu.memory_space<vmem>>, vector<64x64xf32>
    %dot_general3A_82 = arith.constant dense<0.000000e+00> : vector<4096x64xf32>
    %dot_general3A_83 = tpu.matmul %reshape3A_78, %get3A_81, %dot_general3A_82 {dimension_numbers = #tpu.dot_dimension_numbers<[1], [0], [0], [1], [0, 0, 1, 1], [], []>, transpose_lhs_hint = false} : vector<4096x64xf32>, vector<64x64xf32>, vector<4096x64xf32> -> vector<4096x64xf32>
    %get3A_84 = arith.constant 0 : index
    %get3A_85 = arith.constant 0 : index
    %get3A_86 = vector.load %arg13[%get3A_84, %get3A_85] : memref<1x64xf32, #tpu.memory_space<vmem>>, vector<1x64xf32>
    %add3A_87 = vector.broadcast %get3A_86 : vector<1x64xf32> to vector<4096x64xf32>
    %add3A_88 = arith.addf %dot_general3A_83, %add3A_87 : vector<4096x64xf32>
    %neg3A = arith.constant 0.000000e+00 : f32
    %neg3A_89 = vector.broadcast %neg3A : f32 to vector<4096x64xf32>
    %neg3A_90 = arith.subf %neg3A_89, %add3A_88 : vector<4096x64xf32>
    %exp3A = math.exp %neg3A_90 : vector<4096x64xf32>
    %add3A_91 = arith.constant 1.000000e+00 : f32
    %add3A_92 = vector.broadcast %add3A_91 : f32 to vector<4096x64xf32>
    %add3A_93 = arith.addf %add3A_92, %exp3A : vector<4096x64xf32>
    %div3A_94 = arith.constant 1.000000e+00 : f32
    %div3A_95 = vector.broadcast %div3A_94 : f32 to vector<4096x64xf32>
    %div3A_96 = arith.divf %div3A_95, %add3A_93 : vector<4096x64xf32>
    %reshape3A_97 = vector.shape_cast %div3A_96 : vector<4096x64xf32> to vector<128x32x64xf32>
    %mul3A = arith.mulf %reshape3A_97, %reshape3A_38 : vector<128x32x64xf32>
    %reduce_sum3A_98 = arith.constant dense<0.000000e+00> : vector<128x64xf32>
    %reduce_sum3A_99 = vector.multi_reduction <add>, %mul3A, %reduce_sum3A_98 [1] : vector<128x32x64xf32> to vector<128x64xf32>
    %swap3A = arith.constant 0 : index
    %swap3A_100 = arith.constant 0 : index
    %swap3A_101 = vector.load %arg14[%swap3A, %swap3A_100] : memref<128x64xf32, #tpu.memory_space<vmem>>, vector<128x64xf32>
    tpu.vector_store %arg14[%swap3A, %swap3A_100], %reduce_sum3A_99 {strides = array<i32>} : memref<128x64xf32, #tpu.memory_space<vmem>>, vector<128x64xf32>,
    return
  }
  func.func @transform_0(%arg0: i32) -> (i32, i32, i32) {
    %c0_i32 = arith.constant 0 : i32
    %c0_i32_0 = arith.constant 0 : i32
    %c0_i32_1 = arith.constant 0 : i32
    return %arg0, %c0_i32, %c0_i32_0 : i32, i32, i32
  }
  func.func @transform_1(%arg0: i32) -> (i32, i32) {
    %c0_i32 = arith.constant 0 : i32
    %c0_i32_0 = arith.constant 0 : i32
    return %arg0, %c0_i32 : i32, i32
  }
  func.func @transform_2(%arg0: i32) -> (i32, i32) {
    %c0_i32 = arith.constant 0 : i32
    %c0_i32_0 = arith.constant 0 : i32
    %c0_i32_1 = arith.constant 0 : i32
    return %c0_i32, %c0_i32_0 : i32, i32
  }
  func.func @transform_3(%arg0: i32) -> (i32, i32) {
    %c0_i32 = arith.constant 0 : i32
    %c0_i32_0 = arith.constant 0 : i32
    %c0_i32_1 = arith.constant 0 : i32
    return %c0_i32, %c0_i32_0 : i32, i32
  }
  func.func @transform_4(%arg0: i32) -> (i32, i32) {
    %c0_i32 = arith.constant 0 : i32
    %c0_i32_0 = arith.constant 0 : i32
    %c0_i32_1 = arith.constant 0 : i32
    return %c0_i32, %c0_i32_0 : i32, i32
  }
  func.func @transform_5(%arg0: i32) -> (i32, i32) {
    %c0_i32 = arith.constant 0 : i32
    %c0_i32_0 = arith.constant 0 : i32
    %c0_i32_1 = arith.constant 0 : i32
    return %c0_i32, %c0_i32_0 : i32, i32
  }
  func.func @transform_6(%arg0: i32) -> (i32, i32) {
    %c0_i32 = arith.constant 0 : i32
    %c0_i32_0 = arith.constant 0 : i32
    %c0_i32_1 = arith.constant 0 : i32
    return %c0_i32, %c0_i32_0 : i32, i32
  }
  func.func @transform_7(%arg0: i32) -> (i32, i32) {
    %c0_i32 = arith.constant 0 : i32
    %c0_i32_0 = arith.constant 0 : i32
    %c0_i32_1 = arith.constant 0 : i32
    return %c0_i32, %c0_i32_0 : i32, i32
  }
  func.func @transform_8(%arg0: i32) -> (i32, i32) {
    %c0_i32 = arith.constant 0 : i32
    %c0_i32_0 = arith.constant 0 : i32
    %c0_i32_1 = arith.constant 0 : i32
    return %c0_i32, %c0_i32_0 : i32, i32
  }
  func.func @transform_9(%arg0: i32) -> (i32, i32) {
    %c0_i32 = arith.constant 0 : i32
    %c0_i32_0 = arith.constant 0 : i32
    %c0_i32_1 = arith.constant 0 : i32
    return %c0_i32, %c0_i32_0 : i32, i32
  }
  func.func @transform_10(%arg0: i32) -> (i32, i32) {
    %c0_i32 = arith.constant 0 : i32
    %c0_i32_0 = arith.constant 0 : i32
    %c0_i32_1 = arith.constant 0 : i32
    return %c0_i32, %c0_i32_0 : i32, i32
  }
  func.func @transform_11(%arg0: i32) -> (i32, i32) {
    %c0_i32 = arith.constant 0 : i32
    %c0_i32_0 = arith.constant 0 : i32
    %c0_i32_1 = arith.constant 0 : i32
    return %c0_i32, %c0_i32_0 : i32, i32
  }
  func.func @transform_12(%arg0: i32) -> (i32, i32) {
    %c0_i32 = arith.constant 0 : i32
    %c0_i32_0 = arith.constant 0 : i32
    %c0_i32_1 = arith.constant 0 : i32
    return %c0_i32, %c0_i32_0 : i32, i32
  }
  func.func @transform_13(%arg0: i32) -> (i32, i32) {
    %c0_i32 = arith.constant 0 : i32
    %c0_i32_0 = arith.constant 0 : i32
    return %arg0, %c0_i32 : i32, i32
  }
}

</mosaic_0001>

<sc_bundles>
// kernel: kernel.6.cloned.1.call-start
scs
__scs_entry_jumppad:
0x0: {  	(pc) =	sbr.rel $0x88, $3  }
0x1: {  	(tag) =	ssettag $0x0;
	lr =	simm.s32 $0x1  }
0x2: {  	[smem:$0x3F97] =	sst lr;
	_ =	strace $0xD0000000  }
0x3: {  	_ = 	snop  }
0x4: {  	_ = 	snop  }
0x5: {  	_ = 	snop  }
0x6: {  	_ = 	snop  }
0x7: {  	_ = 	snop  }
__scs_overlays_trampoline_lowered:
0x8: {  	[smem:$0x3FA6] =	sst s0  }
0x9: {  	[smem:$0x3FA7] =	sst s1  }
0xa: {  	[smem:$0x3FA8] =	sst s2  }
0xb: {  	[smem:$0x3FA9] =	sst s3  }
0xc: {  	[smem:$0x3FAA] =	sst s4  }
0xd: {  	[smem:$0x3FAB] =	sst s5  }
0xe: {  	[smem:$0x3FAC] =	sst s6  }
0xf: {  	[smem:$0x3FAD] =	sst s7  }
0x10: {  	[smem:$0x3FAE] =	sst s8  }
0x11: {  	[smem:$0x3FAF] =	sst s9;
	s0 =	simm.s32 @!p0 $0x0  }
0x12: {  	s1 =	sld [smem:$0x3F95];
	s0 =	simm.s32 @p0 $0x1  }
0x13: {  	[smem:$0x3FB0] =	sst s0;
	s0 =	simm.s32 @!p1 $0x0  }
0x14: {  	s2 =	sld [smem:$0x3F94];
	s0 =	simm.s32 @p1 $0x1  }
0x15: {  	[smem:$0x3FB1] =	sst s0;
	s0 =	simm.s32 @!p2 $0x0  }
0x16: {  	s3 =	sld [smem:$0x3FDB];
	s0 =	simm.s32 @p2 $0x1  }
0x17: {  	s4 =	simm.s32 $0x1BF5;
	[smem:$0x3FB3] =	sst s0  }
0x18: {  	s0 =	sld [smem:$0x3F96];
	_ =	swait.ge [sflag:s4], $0x0  }
0x19: {  	s7 =	sld [smem:$0x3F97]  }
0x1a: {  	s8 =	sadd.s32 $0xFFFFE003, lr  }
0x1b: {  	s9 =	sadd.s32 $0xFFFFFEF7, lr;
	s5 =	simm.s32 $0xFFFFFFFF;
	p2 =	slt.u32 s8, $0xFFFFF086  }
0x1c: {  	p1 =	slt.u32 s9, $0xF7A;
	s5 =	simm.s32 @!p2 $0x0  }
0x1d: {  	s5 =	simm.s32 @p1 $0x1;
	p0 =	seq.s32 s7, s2  }
0x1e: {  	s7 =	smul.u32 @!p0 $0xF7A, s2;
	p2 =	seq.s32 @!p0 s5, $0x0  }
0x1f: {  	s9 =	smul.u32 $0xF7A, s1;
	s8 =	simm.s32 @!p0 $0x1BF5;
	p2 =	por !p2, p0  }
0x20: {  	[sflag:s8] =	ssyncset.s32 @!p0 $0xFFFFF086;
	s6 =	sadd.s32 @!p0 s3, s7;
	s7 =	simm.s32 @!p0 $0x108  }
0x21: {  	s3 =	sadd.s32 s3, s9;
	s6 =	sadd.s32 @!p0 $0x88, s6;
	s7 =	simm.s32 @p2 $0x1082  }
0x22: {  	[simem:s7], [sflag:s8] =	dma.local @!p0 [hbm:s6], $0xF7A  }
0x23: {  	s9 =	sor.u32 $0xD0000000, s2;
	s6 =	simm.s32 $0x108;
	_ =	swait.ge @!p0 [sflag:s8], $0x0  }
0x24: {  	s3 =	sadd.s32 $0x88, s3;
	s6 =	simm.s32 @!p1 $0x1082;
	[sflag:s4] =	ssyncset.s32 $0xFFFFF086  }
0x25: {  	[simem:s6], [sflag:s4] =	dma.local [hbm:s3], $0xF7A  }
0x26: {  	[smem:$0x3F97] =	sst s1;
	(tag) =	ssettag s2;
	_ =	strace s9  }
0x27: {  	s1 =	sld [smem:$0x3FA7]  }
0x28: {  	s2 =	sld [smem:$0x3FA8]  }
0x29: {  	s4 =	sld [smem:$0x3FAA]  }
0x2a: {  	p0 =	seq.s32 s5, $0x0;
	s5 =	sld [smem:$0x3FAB]  }
0x2b: {  	s6 =	sld [smem:$0x3FAC]  }
0x2c: {  	s7 =	sld [smem:$0x3FAD]  }
0x2d: {  	s3 =	simm.s32 $0x108;
	s8 =	sld [smem:$0x3FAE]  }
0x2e: {  	s3 =	simm.s32 @!p0 $0x1082;
	s9 =	sld [smem:$0x3FAF]  }
0x2f: {  	lr =	sadd.s32 s0, s3;
	s0 =	sld [smem:$0x3FA6]  }
0x30: {  	s3 =	sld [smem:$0x3FA9]  }
0x31: {  	[smem:$0x3FB2] =	sst s10  }
0x32: {  	s10 =	sld [smem:$0x3FB0];
	_ =	sdelay $0x3  }
0x33: {  	p0 =	seq.s32 s10, $0x1;
	s10 =	sld [smem:$0x3FB2];
	_ =	sdelay $0x3  }
0x34: {  	[smem:$0x3FB2] =	sst s10  }
0x35: {  	s10 =	sld [smem:$0x3FB1];
	_ =	sdelay $0x3  }
0x36: {  	p1 =	seq.s32 s10, $0x1;
	s10 =	sld [smem:$0x3FB2];
	_ =	sdelay $0x3  }
0x37: {  	[smem:$0x3FB2] =	sst s10  }
0x38: {  	s10 =	sld [smem:$0x3FB3]  }
0x39: {  	_ = 	snop;
	(pc) =	sbr.ind lr, $3  }
0x3a: {  	_ = 	snop  }
0x3b: {  	_ = 	snop  }
0x3c: {  	p2 =	seq.s32 s10, $0x1;
	s10 =	sld [smem:$0x3FB2]  }
0x3d: {  	_ =	shalt  }
0x3e: {  	_ =	shalt  }
0x3f: {  	_ =	shalt  }
0x40: {  	_ =	shalt  }
0x41: {  	_ =	shalt  }
0x42: {  	_ =	shalt  }
0x43: {  	_ =	shalt  }
0x44: {  	_ =	shalt  }
0x45: {  	_ =	shalt  }
0x46: {  	_ =	shalt  }
0x47: {  	_ =	shalt  }
0x48: {  	_ =	shalt  }
0x49: {  	_ =	shalt  }
0x4a: {  	_ =	shalt  }
0x4b: {  	_ =	shalt  }
0x4c: {  	_ =	shalt  }
0x4d: {  	_ =	shalt  }
0x4e: {  	_ =	shalt  }
0x4f: {  	_ =	shalt  }
0x50: {  	_ =	shalt  }
0x51: {  	_ =	shalt  }
0x52: {  	_ =	shalt  }
0x53: {  	_ =	shalt  }
0x54: {  	_ =	shalt  }
0x55: {  	_ =	shalt  }
0x56: {  	_ =	shalt  }
0x57: {  	_ =	shalt  }
0x58: {  	_ =	shalt  }
0x59: {  	_ =	shalt  }
0x5a: {  	_ =	shalt  }
0x5b: {  	_ =	shalt  }
0x5c: {  	_ =	shalt  }
0x5d: {  	_ =	shalt  }
0x5e: {  	_ =	shalt  }
0x5f: {  	_ =	shalt  }
0x60: {  	_ =	shalt  }
0x61: {  	_ =	shalt  }
0x62: {  	_ =	shalt  }
0x63: {  	_ =	shalt  }
0x64: {  	_ =	shalt  }
0x65: {  	_ =	shalt  }
0x66: {  	_ =	shalt  }
0x67: {  	_ =	shalt  }
0x68: {  	_ =	shalt  }
0x69: {  	_ =	shalt  }
0x6a: {  	_ =	shalt  }
0x6b: {  	_ =	shalt  }
0x6c: {  	_ =	shalt  }
0x6d: {  	_ =	shalt  }
0x6e: {  	_ =	shalt  }
0x6f: {  	_ =	shalt  }
0x70: {  	_ =	shalt  }
0x71: {  	_ =	shalt  }
0x72: {  	_ =	shalt  }
0x73: {  	_ =	shalt  }
0x74: {  	_ =	shalt  }
0x75: {  	_ =	shalt  }
0x76: {  	_ =	shalt  }
0x77: {  	_ =	shalt  }
0x78: {  	_ =	shalt  }
0x79: {  	_ =	shalt  }
0x7a: {  	_ =	shalt  }
0x7b: {  	_ =	shalt  }
0x7c: {  	_ =	shalt  }
0x7d: {  	_ =	shalt  }
0x7e: {  	_ =	shalt  }
0x7f: {  	_ =	shalt  }
0x80: {  	_ =	shalt  }
0x81: {  	_ =	shalt  }
0x82: {  	_ =	shalt  }
0x83: {  	_ =	shalt  }
0x84: {  	_ =	shalt  }
0x85: {  	_ =	shalt  }
0x86: {  	_ =	shalt  }
0x87: {  	_ =	shalt  }
.Lfunc_end0:
.L_simem_size_0:
called_computation_lowered:
.L_overlay_start_0:
0x88: {  	s2 =	sld [smem:$0x3FD9]  }
0x89: {  	s3 =	sld [smem:$0x3FFE];
	_ =	sdelay $0x1  }
0x8a: {  	s1 =	srdreg.scid  }
0x8b: {  	s0 =	sand.u32 $0x1, s1  }
0x8c: {  	s14 =	sshll.u32 s0, $0xA;
	s2 =	sadd.s32 s3, s2  }
0x8d: {  	s2 =	sadd.s32 s2, s14  }
0x8e: {  	[smem:$0x3FBE] =	sst s2  }
0x8f: {  	_ = 	snop  }
0x90: {  	s2 =	sld [smem:$0x3FD0];
	_ =	sdelay $0x2  }
0x91: {  	s15 =	simm.s32 $0xA;
	s4 =	simm.s32 $0x10  }
0x92: {  	[smem:s4], [sflag:s15] =	dma.local [hbm:s2], $0x1  }
0x93: {  	_ =	swait.eq [sflag:s15], $0x1  }
0x94: {  	[sflag:s15] =	ssyncset.done $0x0  }
0x95: {  	[sflag:s15] =	ssyncadd.s32 $0xFFFFFFFF  }
0x96: {  	s16 =	sld [smem:$0x11];
	(tm) =	ssettm $0x1  }
0x97: {  	s17 =	sld [smem:$0x3FFB];
	_ =	sdelay $0x3  }
0x98: {  	_ =	strace s17  }
0x99: {  	s3 =	sld [smem:$0x3FFC];
	_ =	sdelay $0x3  }
0x9a: {  	_ =	strace s3  }
0x9b: {  	s3 =	sld [smem:$0x3FFD];
	_ =	sdelay $0x3  }
0x9c: {  	_ =	strace s3  }
0x9d: {  	_ =	strace $0x8FFFFFFF  }
0x9e: {  	s18 =	sld [smem:$0x3FDB];
	_ =	sdelay $0x1  }
0x9f: {  	s19 =	simm.s32 $_scs_section_size  }
0xa0: {  	s5 =	simm.s32 $_size__tile_overlayer_lowered;
	s6 =	simm.s32 $_tile_overlayer_lowered  }
0xa1: {  	s22 =	simm.s32 $0x1BFF;
	s21 =	sshll.u32 s6, $0x1;
	s3 =	sadd.s32 s19, s18  }
0xa2: {  	s7 =	simm.s32 $0x0;
	s20 =	sshll.u32 s5, $0x1;
	s5 =	sadd.s32 s21, s3  }
0xa3: {  	[timem:s7], [sflag:s22] =	dma.local [hbm:s5], s20  }
0xa4: {  	_ =	swait.ge [sflag:s22], s20  }
0xa5: {  	s4 =	ssub.s32 $0x0, s20;
	[sflag:s22] =	ssyncset.done $0x0  }
0xa6: {  	[sflag:s22] =	ssyncadd.s32 s4;
	_ =	sdelay $0x1  }
0xa7: {  	s23 =	simm.s32 $0x1B8B  }
0xa8: {  	_ =	swait.ge [sflag:s23], $0x1  }
0xa9: {  	[sflag:s23] =	ssyncset.done $0x0  }
0xaa: {  	s25 =	simm.s32 $0x1B8E;
	s24 =	sld [smem:$0x3FFE];
	[sflag:s23] =	ssyncadd.s32 $0xFFFFFFFF  }
0xab: {  	s26 =	simm.s32 $execute0_lowered;
	[smem:$0x3FD2] =	sst s25  }
0xac: {  	s5 =	sshll.u32 s26, $0x1;
	_ =	strace $0x80000046;
	[dreg:$0x1] =	wrdreg $0xFFFFFFFF  }
0xad: {  	s28 =	simm.s32 $_size_execute0_lowered;
	s3 =	sadd.s32 s3, s5;
	[dreg:$0x0] =	wrdreg $0x0  }
0xae: {  	s5 =	sshll.u32 s28, $0x1;
	[dreg:$0x2] =	wrdreg s3  }
0xaf: {  	[dreg:$0x3] =	wrdreg s5  }
0xb0: {  	[dreg:$0x4] =	wrdreg $0xC0  }
0xb1: {  	_ =	task [dreg:s7], $0x5FFFF  }
0xb2: {  	[dreg:$0x1] =	wrdreg $0xFFFFFFFF  }
0xb3: {  	[dreg:$0x0] =	wrdreg $0x60  }
0xb4: {  	[dreg:$0x2] =	wrdreg s24  }
0xb5: {  	[dreg:$0x3] =	wrdreg s16  }
0xb6: {  	[dreg:$0x4] =	wrdreg $0x9  }
0xb7: {  	_ =	task.clear_ibuf [dreg:s7], $0x5FFFF;
	_ =	strace $0x90000046  }
0xb8: {  	s29 =	simm.s32 $0x9;
	_ =	strace $0x80000048  }
0xb9: {  	_ =	swait.ge [sflag:s29], $0x1  }
0xba: {  	[sflag:s29] =	ssyncadd.s32 $0xFFFFFFFF  }
0xbb: {  	_ =	strace $0x90000048  }
0xbc: {  	_ =	sfence  }
0xbd: {  	s30 =	sld [smem:$0x0];
	_ =	sdelay $0x2  }
0xbe: {  	s31 =	sshll.u32 s1, $0xD;
	s1 =	sshrl.u32 s1, $0x2  }
0xbf: {  	s3 =	sand.u32 $0x4000, s31;
	s1 =	sadd.s32 s1, s30  }
0xc0: {  	s0 =	sor.u32 s3, s0;
	s1 =	sshll.u32 s1, $0x11  }
0xc1: {  	s0 =	sor.u32 s1, s0  }
0xc2: {  	s0 =	sadd.s32 $0x8F2B, s0  }
0xc3: {  	[sflag:s0] =	ssyncadd.remote.s32 $0x1  }
0xc4: {  	_ =	sfence.sel $0xFFFF  }
0xc5: {  	[dreg:$0x0] =	wrdreg $0xFFFFFFFF;
	(pc) =	sbr.abs _section_cstart, $3  }
0xc6: {  	[dreg:$0x1] =	wrdreg $0xFFFFFFFF  }
0xc7: {  	_ =	task.clear_ibuf [dreg:s7], $0x2FFFF;
	_ =	strace $0x9FFFFFFF  }
0xc8: {  	(tm) =	ssettm $0x7FFFFFFF  }
0xc9: {  	_ =	shalt  }
tec
execute0_lowered:
.L_overlay_start_1:
0x0: {  	(tag) =	ssettag $0x1  }
0x1: {  	s1 =	srdreg.scid  }
0x2: {  	s8 =	rddreg [dreg:$0x0];
	s0 =	stileid.u32;
	s14 =	sand.u32 $0x1, s1  }
0x3: {  	s13 =	rddreg [dreg:$0x1];
	s3 =	sshll.u32 s0, $0xD;
	s4 =	sshll.u32 s14, $0xC  }
0x4: {  	s2 =	simm.s32 $0x0;
	s1 =	rddreg [dreg:$0x2];
	s15 =	sor.u32 s4, s3  }
0x5: {  	[smem:$0x7FF] =	sst s2;
	s3 =	sshrl.u32 s15, $0x3  }
0x6: {  	_ =	strace $0x80000047;
	s4 =	sadd.s32 s13, s3;
	s3 =	simm.s32 $0x2  }
0x7: {  	[tilespmem:s2], [sflag:$0x2] =	stream.linear.gather [hbm4b:s4+s2], $0x400, $0x38;
	[tilespmem:$0x14400] =	vst v63  }
0x8: {  	_ =	swait.ge [sflag:s3], $0x400  }
0x9: {  	s6 =	simm.s32 $0x400;
	[sflag:s3] =	ssyncset.done $0x0  }
0xa: {  	s7 =	simm.s32 $0x1;
	s5 =	sadd.s32 $0x101A00, s8;
	[sflag:s3] =	ssyncadd.s32 $0xFFFFFC00  }
0xb: {  	[tilespmem:s6], [sflag:$0x1] =	stream.indirect.gather [hbm4b:s5+s6], $0x50, s2, s6, $0xb8;
	[tilespmem:$0x14400] =	vst v63  }
0xc: {  	s9 =	smul.u32 $0xA, s15;
	_ =	swait.ge [sflag:s7], $0x14000  }
0xd: {  	s16 =	sadd.s32 $0x1A1A00, s8;
	[sflag:s7] =	ssyncset.done $0x0  }
0xe: {  	s8 =	sadd.s32 s16, s9;
	[sflag:s7] =	ssyncadd.s32 $0xFFFEC000  }
0xf: {  	[hbm4b:s8+s2] =	stream.linear.scatter [tilespmem:s6], [sflag:$0x2], $0x14000, $0x38;
	[tilespmem:$0x14400] =	vst v63  }
0x10: {  	s10 =	sor.u32 $0x400, s15;
	_ =	swait.ge [sflag:s3], $0x14000  }
0x11: {  	s29 =	sshrl.u32 s10, $0x3;
	[sflag:s3] =	ssyncset.done $0x0  }
0x12: {  	s9 =	sadd.s32 s13, s29;
	[sflag:s3] =	ssyncadd.s32 $0xFFFEC000  }
0x13: {  	[tilespmem:s2], [sflag:$0x2] =	stream.linear.gather [hbm4b:s9+s2], $0x400, $0x38;
	[tilespmem:$0x14400] =	vst v63  }
0x14: {  	_ =	swait.ge [sflag:s3], $0x400  }
0x15: {  	[sflag:s3] =	ssyncset.done $0x0  }
0x16: {  	[sflag:s3] =	ssyncadd.s32 $0xFFFFFC00  }
0x17: {  	[tilespmem:s6], [sflag:$0x1] =	stream.indirect.gather [hbm4b:s5+s6], $0x50, s2, s6, $0xb8;
	[tilespmem:$0x14400] =	vst v63  }
0x18: {  	s10 =	smul.u32 $0xA, s10;
	_ =	swait.ge [sflag:s7], $0x14000  }
0x19: {  	[sflag:s7] =	ssyncset.done $0x0  }
0x1a: {  	s10 =	sadd.s32 s16, s10;
	[sflag:s7] =	ssyncadd.s32 $0xFFFEC000  }
0x1b: {  	[hbm4b:s10+s2] =	stream.linear.scatter [tilespmem:s6], [sflag:$0x2], $0x14000, $0x38;
	[tilespmem:$0x14400] =	vst v63  }
0x1c: {  	s12 =	sor.u32 $0x800, s15;
	_ =	swait.ge [sflag:s3], $0x14000  }
0x1d: {  	s11 =	sshrl.u32 s12, $0x3;
	[sflag:s3] =	ssyncset.done $0x0  }
0x1e: {  	s11 =	sadd.s32 s13, s11;
	[sflag:s3] =	ssyncadd.s32 $0xFFFEC000  }
0x1f: {  	[tilespmem:s2], [sflag:$0x2] =	stream.linear.gather [hbm4b:s11+s2], $0x400, $0x38;
	[tilespmem:$0x14400] =	vst v63  }
0x20: {  	_ =	swait.ge [sflag:s3], $0x400  }
0x21: {  	[sflag:s3] =	ssyncset.done $0x0  }
0x22: {  	[sflag:s3] =	ssyncadd.s32 $0xFFFFFC00  }
0x23: {  	[tilespmem:s6], [sflag:$0x1] =	stream.indirect.gather [hbm4b:s5+s6], $0x50, s2, s6, $0xb8;
	[tilespmem:$0x14400] =	vst v63  }
0x24: {  	s12 =	smul.u32 $0xA, s12;
	_ =	swait.ge [sflag:s7], $0x14000  }
0x25: {  	[sflag:s7] =	ssyncset.done $0x0  }
0x26: {  	s12 =	sadd.s32 s16, s12;
	[sflag:s7] =	ssyncadd.s32 $0xFFFEC000  }
0x27: {  	[hbm4b:s12+s2] =	stream.linear.scatter [tilespmem:s6], [sflag:$0x2], $0x14000, $0x38;
	[tilespmem:$0x14400] =	vst v63  }
0x28: {  	s15 =	sor.u32 $0xC00, s15;
	_ =	swait.ge [sflag:s3], $0x14000  }
0x29: {  	s17 =	sshrl.u32 s15, $0x3;
	[sflag:s3] =	ssyncset.done $0x0  }
0x2a: {  	s14 =	ssub.s32 $0x2, s14;
	s13 =	sadd.s32 s13, s17;
	[sflag:s3] =	ssyncadd.s32 $0xFFFEC000  }
0x2b: {  	[tilespmem:s2], [sflag:$0x2] =	stream.linear.gather [hbm4b:s13+s2], $0x400, $0x38;
	[tilespmem:$0x14400] =	vst v63  }
0x2c: {  	s30 =	sshrl.u32 s14, $0x1;
	_ =	swait.ge [sflag:s3], $0x400  }
0x2d: {  	s17 =	ssub.s32 s14, s30;
	[sflag:s3] =	ssyncset.done $0x0  }
0x2e: {  	s31 =	smax.u32 s17, $0x1;
	[sflag:s3] =	ssyncadd.s32 $0xFFFFFC00  }
0x2f: {  	[tilespmem:s6], [sflag:$0x1] =	stream.indirect.gather [hbm4b:s5+s6], $0x50, s2, s6, $0xb8;
	[tilespmem:$0x14400] =	vst v63  }
0x30: {  	s15 =	smul.u32 $0xA, s15;
	p0 =	sne.s32 s31, $0x1;
	_ =	swait.ge [sflag:s7], $0x14000  }
.Ltmp0:
0x31: {  	[sflag:s7] =	ssyncset.done $0x0;
	(pc) =	sbr.rel @!p0 .LBB2_2-.Ltmp0, $4  }
0x32: {  	s14 =	sadd.s32 s16, s15;
	[sflag:s7] =	ssyncadd.s32 $0xFFFEC000  }
0x33: {  	[hbm4b:s14+s2] =	stream.linear.scatter [tilespmem:s6], [sflag:$0x2], $0x14000, $0x38;
	[tilespmem:$0x14400] =	vst v63  }
0x34: {  	_ =	swait.ge [sflag:s3], $0x14000  }
0x35: {  	s15 =	sadd.s32 $0xFFFFFFFF, s31;
	[sflag:s3] =	ssyncset.done $0x0  }
.LBB2_1:
0x36: {  	p0 =	sne.s32 s15, $0x1;
	s15 =	sadd.s32 $0xFFFFFFFF, s15;
	[sflag:s3] =	ssyncadd.s32 $0xFFFEC000  }
0x37: {  	[tilespmem:s2], [sflag:$0x2] =	stream.linear.gather [hbm4b:s4+s2], $0x400, $0x38;
	[tilespmem:$0x14400] =	vst v63  }
0x38: {  	_ =	swait.ge [sflag:s3], $0x400  }
0x39: {  	[sflag:s3] =	ssyncset.done $0x0  }
0x3a: {  	[sflag:s3] =	ssyncadd.s32 $0xFFFFFC00  }
0x3b: {  	[tilespmem:s6], [sflag:$0x1] =	stream.indirect.gather [hbm4b:s5+s6], $0x50, s2, s6, $0xb8;
	[tilespmem:$0x14400] =	vst v63  }
0x3c: {  	_ =	swait.ge [sflag:s7], $0x14000  }
0x3d: {  	[sflag:s7] =	ssyncset.done $0x0  }
0x3e: {  	[sflag:s7] =	ssyncadd.s32 $0xFFFEC000  }
0x3f: {  	[hbm4b:s8+s2] =	stream.linear.scatter [tilespmem:s6], [sflag:$0x2], $0x14000, $0x38;
	[tilespmem:$0x14400] =	vst v63  }
0x40: {  	_ =	swait.ge [sflag:s3], $0x14000  }
0x41: {  	[sflag:s3] =	ssyncset.done $0x0  }
0x42: {  	[sflag:s3] =	ssyncadd.s32 $0xFFFEC000  }
0x43: {  	[tilespmem:s2], [sflag:$0x2] =	stream.linear.gather [hbm4b:s9+s2], $0x400, $0x38;
	[tilespmem:$0x14400] =	vst v63  }
0x44: {  	_ =	swait.ge [sflag:s3], $0x400  }
0x45: {  	[sflag:s3] =	ssyncset.done $0x0  }
0x46: {  	[sflag:s3] =	ssyncadd.s32 $0xFFFFFC00  }
0x47: {  	[tilespmem:s6], [sflag:$0x1] =	stream.indirect.gather [hbm4b:s5+s6], $0x50, s2, s6, $0xb8;
	[tilespmem:$0x14400] =	vst v63  }
0x48: {  	_ =	swait.ge [sflag:s7], $0x14000  }
0x49: {  	[sflag:s7] =	ssyncset.done $0x0  }
0x4a: {  	[sflag:s7] =	ssyncadd.s32 $0xFFFEC000  }
0x4b: {  	[hbm4b:s10+s2] =	stream.linear.scatter [tilespmem:s6], [sflag:$0x2], $0x14000, $0x38;
	[tilespmem:$0x14400] =	vst v63  }
0x4c: {  	_ =	swait.ge [sflag:s3], $0x14000  }
0x4d: {  	[sflag:s3] =	ssyncset.done $0x0  }
0x4e: {  	[sflag:s3] =	ssyncadd.s32 $0xFFFEC000  }
0x4f: {  	[tilespmem:s2], [sflag:$0x2] =	stream.linear.gather [hbm4b:s11+s2], $0x400, $0x38;
	[tilespmem:$0x14400] =	vst v63  }
0x50: {  	_ =	swait.ge [sflag:s3], $0x400  }
0x51: {  	[sflag:s3] =	ssyncset.done $0x0  }
0x52: {  	[sflag:s3] =	ssyncadd.s32 $0xFFFFFC00  }
0x53: {  	[tilespmem:s6], [sflag:$0x1] =	stream.indirect.gather [hbm4b:s5+s6], $0x50, s2, s6, $0xb8;
	[tilespmem:$0x14400] =	vst v63  }
0x54: {  	_ =	swait.ge [sflag:s7], $0x14000  }
0x55: {  	[sflag:s7] =	ssyncset.done $0x0  }
0x56: {  	[sflag:s7] =	ssyncadd.s32 $0xFFFEC000  }
0x57: {  	[hbm4b:s12+s2] =	stream.linear.scatter [tilespmem:s6], [sflag:$0x2], $0x14000, $0x38;
	[tilespmem:$0x14400] =	vst v63  }
0x58: {  	_ =	swait.ge [sflag:s3], $0x14000  }
0x59: {  	[sflag:s3] =	ssyncset.done $0x0  }
0x5a: {  	[sflag:s3] =	ssyncadd.s32 $0xFFFEC000  }
0x5b: {  	[tilespmem:s2], [sflag:$0x2] =	stream.linear.gather [hbm4b:s13+s2], $0x400, $0x38;
	[tilespmem:$0x14400] =	vst v63  }
0x5c: {  	_ =	swait.ge [sflag:s3], $0x400  }
0x5d: {  	[sflag:s3] =	ssyncset.done $0x0  }
0x5e: {  	[sflag:s3] =	ssyncadd.s32 $0xFFFFFC00  }
0x5f: {  	[tilespmem:s6], [sflag:$0x1] =	stream.indirect.gather [hbm4b:s5+s6], $0x50, s2, s6, $0xb8;
	[tilespmem:$0x14400] =	vst v63  }
0x60: {  	_ =	swait.ge [sflag:s7], $0x14000  }
.Ltmp1:
0x61: {  	[sflag:s7] =	ssyncset.done $0x0;
	(pc) =	sbr.rel @p0 .LBB2_1-.Ltmp1, $4  }
0x62: {  	[sflag:s7] =	ssyncadd.s32 $0xFFFEC000  }
0x63: {  	[hbm4b:s14+s2] =	stream.linear.scatter [tilespmem:s6], [sflag:$0x2], $0x14000, $0x38;
	[tilespmem:$0x14400] =	vst v63  }
0x64: {  	_ =	swait.ge [sflag:s3], $0x14000  }
0x65: {  	[sflag:s3] =	ssyncset.done $0x0  }
.LBB2_2:
0x66: {  	[sflag:s3] =	ssyncadd.s32 $0xFFFEC000  }
0x67: {  	_ =	sfence.sel $0x180000  }
0x68: {  	[bflag:$0x0] =	sbarrier.arrive $0xFFFF  }
0x69: {  	p0 =	sne.s32 s0, $0x0;
	_ =	strace $0x90000047  }
0x6a: {  	s0 =	sadd.s32 @!p0 $0x100000, s1;
	[bflag:$0x2] =	sbarrier.arrive $0xFFFF  }
0x6b: {  	[sflag:s0] =	ssyncadd.tile.s32 @!p0 $0x1;
	_ =	shalt  }
.Lfunc_end2:
_tile_overlayer_lowered:
.L_overlay_start_2:
0x6c: {  	(tag) =	ssettag $0x2  }
0x6d: {  	s0 =	rddreg [dreg:$0x0];
	s2 =	stileid.u32  }
0x6e: {  	s1 =	rddreg [dreg:$0x1];
	p0 =	sne.s32 s2, $0x0  }
0x6f: {  	s3 =	rddreg [dreg:$0x2];
	[bflag:$0x3] =	sbarrier.arrive $0xFFFF;
	s2 =	simm.s32 @!p0 $0x1C02  }
0x70: {  	[timem:s3], [sflag:s2] =	dma.local @!p0 [hbm:s0], s1  }
0x71: {  	s0 =	simm.s32 @!p0 $0x2  }
0x72: {  	_ =	swait.ge @!p0 [sflag:s0], s1  }
0x73: {  	s1 =	ssub.s32 @!p0 $0x0, s1;
	[sflag:s0] =	ssyncset.done @!p0 $0x0  }
0x74: {  	[sflag:s0] =	ssyncadd.s32 @!p0 s1  }
0x75: {  	[bflag:$0x3] =	sbarrier.arrive $0xFFFF  }
0x76: {  	_ =	shalt  }

</sc_bundles>
